<compile_context>
chip_gen: v7x
topology: tpu7x:2x2x1
jax: 0.10.2.dev20260603
libtpu: 0.0.44.dev20260713+nightly
codegen_flags: <defaults>
</compile_context>

<pallas_src>
import jax
import jax.numpy as jnp
from jax import lax
from jax.experimental import pallas as pl
from jax.experimental.pallas import tpu as pltpu
from jax.experimental.pallas import tpu_sc as plsc

VOCAB_N = 100000
EMB_N = 32
BATCH_N = 1024
HIST_N = 200

NC = 2
NS = 16
NW = NC * NS
AROWS = BATCH_N // NW
RGS = AROWS // 8
BROWS = BATCH_N // NW
W = 6144
NK = 16
TAILC0 = NK * W
TAILW = VOCAB_N - TAILC0
HPAD = 104
HISTP = 2 * HPAD


def _onehot_body(tok_hbm, out_hbm, tok_v, buf0, buf1, buft,
                 sem0, sem1, semt):
    wid = lax.axis_index("s") * NC + lax.axis_index("c")
    base_row = wid * AROWS
    base_rg = wid * RGS

    pltpu.sync_copy(tok_hbm.at[pl.ds(base_row, AROWS)], tok_v)

    zero16 = jnp.zeros((16,), jnp.float32)
    one16 = jnp.ones((16,), jnp.float32)

    def z_main(i, carry):
        for rr in range(8):
            buf0[rr, pl.ds(i * 16, 16)] = zero16
            buf1[rr, pl.ds(i * 16, 16)] = zero16
        return carry
    lax.fori_loop(0, W // 16, z_main, 0)

    def z_tail(i, carry):
        for rr in range(8):
            buft[rr, pl.ds(i * 16, 16)] = zero16
        return carry
    lax.fori_loop(0, TAILW // 16, z_tail, 0)

    def scan(buf, rg, c0, cw, val16):
        cwu = jnp.uint32(cw)

        def rbody(rr, carry):
            row = rg * 8 + rr
            ir = jnp.full((16,), rr, jnp.int32)
            for ch in range(HISTP // 16):
                t = tok_v[row, pl.ds(ch * 16, 16)]
                ic = t - c0
                m = ic.astype(jnp.uint32) < cwu
                plsc.store_scatter(buf, [ir, ic], val16, mask=m)
            return carry
        lax.fori_loop(0, 8, rbody, 0)

    bufs = (buf0, buf1)
    sems = (sem0, sem1)

    def rg_body(rg, carry):
        rgg = base_rg + rg

        def kp_body(j, c):
            for u in range(2):
                k = 2 * j + u
                c0 = k * W
                buf, sem = bufs[u], sems[u]

                @pl.when((k >= 2) | (rg > 0))
                def _reuse(buf=buf, sem=sem, k=k, c0=c0):
                    k2 = jnp.where(k >= 2, k - 2, NK - 2 + k)
                    rg2 = jnp.where(k >= 2, rg, rg - 1)
                    pltpu.make_async_copy(
                        buf, out_hbm.at[pl.ds(0, 8), pl.ds(0, W)], sem).wait()
                    scan(buf, rg2, k2 * W, W, zero16)

                scan(buf, rg, c0, W, one16)
                pltpu.async_copy(
                    buf, out_hbm.at[pl.ds(rgg * 8, 8), pl.ds(c0, W)], sem)
            return c
        lax.fori_loop(0, NK // 2, kp_body, 0)

        @pl.when(rg > 0)
        def _tail_reuse():
            pltpu.make_async_copy(
                buft, out_hbm.at[pl.ds(0, 8), pl.ds(TAILC0, TAILW)],
                semt).wait()
            scan(buft, rg - 1, TAILC0, TAILW, zero16)
        scan(buft, rg, TAILC0, TAILW, one16)
        pltpu.async_copy(
            buft, out_hbm.at[pl.ds(rgg * 8, 8), pl.ds(TAILC0, TAILW)], semt)
        return carry
    lax.fori_loop(0, RGS, rg_body, 0)

    for u in range(2):
        pltpu.make_async_copy(
            bufs[u], out_hbm.at[pl.ds(0, 8), pl.ds(0, W)], sems[u]).wait()
    pltpu.make_async_copy(
        buft, out_hbm.at[pl.ds(0, 8), pl.ds(TAILC0, TAILW)], semt).wait()


def _preds_body(tok_hbm, table_hbm, wb_hbm, preds_hbm,
                tok_v, emb_v, wb_v, logits_v, semg):
    wid = lax.axis_index("s") * NC + lax.axis_index("c")
    base_row = wid * BROWS

    pltpu.sync_copy(tok_hbm.at[pl.ds(base_row, BROWS)], tok_v)
    pltpu.sync_copy(wb_hbm, wb_v)

    zero16 = jnp.zeros((16,), jnp.float32)
    lane0 = lax.iota(jnp.int32, 16) == 0
    w0 = wb_v[pl.ds(0, 16)]
    w1 = wb_v[pl.ds(16, 16)]

    def prow(row, c):
        for hh in range(2):
            pltpu.async_copy(table_hbm.at[tok_v.at[row, hh]],
                             emb_v.at[pl.ds(hh * HPAD, HPAD)], semg)
        for hh in range(2):
            pltpu.make_async_copy(table_hbm.at[tok_v.at[row, hh]],
                                  emb_v.at[pl.ds(hh * HPAD, HPAD)],
                                  semg).wait()

        def acc_body(jj, acc):
            a0, a1 = acc
            return (a0 + emb_v[jj, pl.ds(0, 16)],
                    a1 + emb_v[jj, pl.ds(16, 16)])
        a0, a1 = lax.fori_loop(0, HIST_N, acc_body, (zero16, zero16))
        s = jnp.sum(a0 * w0 + a1 * w1) * (1.0 / HIST_N)
        plsc.store_scatter(logits_v, [jnp.full((16,), row, jnp.int32)],
                           jnp.full((16,), s, jnp.float32), mask=lane0)
        return c
    lax.fori_loop(0, BROWS, prow, 0)

    bvec = wb_v[pl.ds(32, 16)]
    for g in range(BROWS // 16):
        x = logits_v[pl.ds(g * 16, 16)] + bvec
        logits_v[pl.ds(g * 16, 16)] = 1.0 / (1.0 + jnp.exp(-x))
    pltpu.sync_copy(logits_v, preds_hbm.at[pl.ds(base_row, BROWS)])


@jax.jit
def kernel(token_ids, emb_table, W_dec, b):
    tok208 = jnp.concatenate([token_ids, token_ids[:, :8]],
                             axis=1).astype(jnp.int32)
    tok = tok208.reshape(BATCH_N, 2, HPAD)
    wb = jnp.concatenate([W_dec.reshape(EMB_N).astype(jnp.float32),
                          jnp.broadcast_to(b.astype(jnp.float32), (16,))])

    mesh = plsc.VectorSubcoreMesh(core_axis_name="c", subcore_axis_name="s")

    onehot = pl.kernel(
        _onehot_body,
        out_type=jax.ShapeDtypeStruct((BATCH_N, VOCAB_N), jnp.float32),
        mesh=mesh,
        compiler_params=pltpu.CompilerParams(needs_layout_passes=False),
        scratch_types=[
            pltpu.VMEM((AROWS, HISTP), jnp.int32),
            pltpu.VMEM((8, W), jnp.float32),
            pltpu.VMEM((8, W), jnp.float32),
            pltpu.VMEM((8, TAILW), jnp.float32),
            pltpu.SemaphoreType.DMA,
            pltpu.SemaphoreType.DMA,
            pltpu.SemaphoreType.DMA,
        ],
    )
    preds_k = pl.kernel(
        _preds_body,
        out_type=jax.ShapeDtypeStruct((BATCH_N,), jnp.float32),
        mesh=mesh,
        compiler_params=pltpu.CompilerParams(use_tc_tiling_on_sc=False,
                                             needs_layout_passes=False),
        scratch_types=[
            pltpu.VMEM((BROWS, 2, HPAD), jnp.int32),
            pltpu.VMEM((2 * HPAD, EMB_N), jnp.float32),
            pltpu.VMEM((48,), jnp.float32),
            pltpu.VMEM((BROWS,), jnp.float32),
            pltpu.SemaphoreType.DMA,
        ],
    )
    input_vector = onehot(tok208)
    preds = preds_k(tok, emb_table, wb)
    return (input_vector, preds)

# --- scband reference (transcript-rebuilt; emitter-appended) ---
"""Pipeline reference for scband-simple-regression-model-19782619365984 (READ-ONLY COPY).

The authoritative reference and input builder live on the scoring server;
editing this copy changes nothing except your own understanding.
"""

import jax, jax.numpy as jnp
import numpy as np

VOCAB = 100000
EMB = 32
BATCH = 1024
HIST = 200

def setup_inputs(seed: int = 0) -> dict:
    key = jax.random.key(seed)
    k1, k2, k3 = jax.random.split(key, 3)
    token_ids = jax.random.randint(k1, (BATCH, HIST), 0, VOCAB)
    emb_table = jax.random.normal(k2, (VOCAB, EMB), dtype=jnp.float32)
    # xavier-uniform-ish init for the label decoder weight
    limit = float(np.sqrt(6.0 / (EMB + 1)))
    W = jax.random.uniform(k3, (1, EMB), minval=-limit, maxval=limit, dtype=jnp.float32)
    b = jnp.zeros((1,), dtype=jnp.float32)
    return {"token_ids": token_ids, "emb_table": emb_table, "W": W, "b": b}

def reference(token_ids, emb_table, W, b):
    B = token_ids.shape[0]
    # input_vector.scatter_(1, token_ids, 1) -> one-hot-ish multi-hot scatter-overwrite
    input_vector = jnp.zeros((B, VOCAB), dtype=jnp.float32)
    rows = jnp.arange(B)[:, None]
    input_vector = input_vector.at[rows, token_ids].set(1.0)
    # nn.EmbeddingBag(mode='mean'): gather rows then mean over the bag (hist) dim
    emb = jnp.take(emb_table, token_ids, axis=0).mean(axis=1)
    # label_decoder + sigmoid + squeeze
    logits = emb @ W.T + b
    preds = jax.nn.sigmoid(logits).squeeze()
    return (input_vector, preds)

if __name__ == "__main__":
    import jax
    _d = setup_inputs()
    print(jax.jit(kernel)(*tuple(_d.values())))

</pallas_src>

<mosaic_0001>
#map = affine_map<(d0, d1) -> (0, 0)>
module attributes {stable_mosaic.version = 14 : i64} {
  func.func @_onehot_body(%arg0: i32, %arg1: i32, %arg2: memref<1024x208xi32, #tpu.memory_space<hbm>>, %arg3: memref<1024x100000xf32, #tpu.memory_space<hbm>>, %arg4: memref<32x208xi32, #tpu.memory_space<vmem>>, %arg5: memref<8x6144xf32, #tpu.memory_space<vmem>>, %arg6: memref<8x6144xf32, #tpu.memory_space<vmem>>, %arg7: memref<8x1696xf32, #tpu.memory_space<vmem>>, %arg8: memref<!tpu.dma_semaphore, #tpu.memory_space<semaphore_mem>>, %arg9: memref<!tpu.dma_semaphore, #tpu.memory_space<semaphore_mem>>, %arg10: memref<!tpu.dma_semaphore, #tpu.memory_space<semaphore_mem>>) attributes {dimension_semantics = [#tpu.dimension_semantics<core_parallel>, #tpu.dimension_semantics<subcore_parallel>], iteration_bounds = array<i64: 2, 16>, scalar_prefetch = 0 : i64, scratch_operands = 7 : i64, tpu.core_type = #tpu.core_type<sc_vector_subcore>, window_params = [{transform_indices = #map}, {transform_indices = #map}]} {
    %mul3A = arith.constant 2 : i32
    %mul3A_0 = arith.muli %arg1, %mul3A : i32
    %add3A = arith.addi %mul3A_0, %arg0 : i32
    %mul3A_1 = arith.constant 32 : i32
    %mul3A_2 = arith.muli %add3A, %mul3A_1 : i32
    %mul3A_3 = arith.constant 4 : i32
    %mul3A_4 = arith.muli %add3A, %mul3A_3 : i32
    "tpu.region"() ({
      %run_scoped3A = tpu.sem_alloc : memref<!tpu.dma_semaphore, #tpu.memory_space<semaphore_mem>>
      %dma_start3A = arith.constant 0 : i32
      %dma_start3A_42 = tpu.memref_slice %arg2[%mul3A_2, %dma_start3A] : memref<1024x208xi32, #tpu.memory_space<hbm>> -> memref<32x208xi32, #tpu.memory_space<hbm>>
      %dma_start3A_43 = arith.constant 0 : i32
      %dma_start3A_44 = tpu.memref_slice %arg2[%mul3A_2, %dma_start3A_43] : memref<1024x208xi32, #tpu.memory_space<hbm>> -> memref<32x208xi32, #tpu.memory_space<hbm>>
      tpu.enqueue_dma source(%dma_start3A_44 : memref<32x208xi32, #tpu.memory_space<hbm>>) target(%arg4 : memref<32x208xi32, #tpu.memory_space<vmem>>) target_semaphore(%run_scoped3A : memref<!tpu.dma_semaphore, #tpu.memory_space<semaphore_mem>>)
      %dma_wait3A_45 = arith.constant 0 : i32
      %dma_wait3A_46 = tpu.memref_slice %arg2[%mul3A_2, %dma_wait3A_45] : memref<1024x208xi32, #tpu.memory_space<hbm>> -> memref<32x208xi32, #tpu.memory_space<hbm>>
      %dma_wait3A_47 = arith.constant 0 : i32
      %dma_wait3A_48 = tpu.memref_slice %arg2[%mul3A_2, %dma_wait3A_47] : memref<1024x208xi32, #tpu.memory_space<hbm>> -> memref<32x208xi32, #tpu.memory_space<hbm>>
      tpu.wait_dma2 semaphore(%run_scoped3A : memref<!tpu.dma_semaphore, #tpu.memory_space<semaphore_mem>>) src(%dma_wait3A_48 : memref<32x208xi32, #tpu.memory_space<hbm>>) dst(%arg4 : memref<32x208xi32, #tpu.memory_space<vmem>>)
      tpu.yield
    }) : () -> ()
    %broadcast_in_dim3A = arith.constant 0.000000e+00 : f32
    %broadcast_in_dim3A_5 = vector.broadcast %broadcast_in_dim3A : f32 to vector<16xf32>
    %broadcast_in_dim3A_6 = arith.constant 1.000000e+00 : f32
    %broadcast_in_dim3A_7 = vector.broadcast %broadcast_in_dim3A_6 : f32 to vector<16xf32>
    %scan3A = arith.constant 0 : i32
    %scan3A_8 = arith.constant 0 : i32
    %scan3A_9 = arith.constant 384 : i32
    %scan3A_10 = arith.addi %scan3A_8, %scan3A_9 : i32
    %scan3A_11 = arith.constant 1 : i32
    scf.for %scan3A_42 = %scan3A_8 to %scan3A_10 step %scan3A_11  : i32 {
      %mul3A_43 = arith.constant 16 : i32
      %mul3A_44 = arith.muli %scan3A_42, %mul3A_43 : i32
      %swap3A = arith.constant 0 : i32
      %swap3A_45 = arith.index_cast %swap3A : i32 to index
      %swap3A_46 = arith.index_cast %mul3A_44 : i32 to index
      %swap3A_47 = tpu.vector_load %arg5[%swap3A_45, %swap3A_46] {strides = array<i32>} : memref<8x6144xf32, #tpu.memory_space<vmem>>, vector<16xf32>,
      tpu.vector_store %arg5[%swap3A_45, %swap3A_46], %broadcast_in_dim3A_5 {strides = array<i32>} : memref<8x6144xf32, #tpu.memory_space<vmem>>, vector<16xf32>,
      %mul3A_48 = arith.constant 16 : i32
      %mul3A_49 = arith.muli %scan3A_42, %mul3A_48 : i32
      %swap3A_50 = arith.constant 0 : i32
      %swap3A_51 = arith.index_cast %swap3A_50 : i32 to index
      %swap3A_52 = arith.index_cast %mul3A_49 : i32 to index
      %swap3A_53 = tpu.vector_load %arg6[%swap3A_51, %swap3A_52] {strides = array<i32>} : memref<8x6144xf32, #tpu.memory_space<vmem>>, vector<16xf32>,
      tpu.vector_store %arg6[%swap3A_51, %swap3A_52], %broadcast_in_dim3A_5 {strides = array<i32>} : memref<8x6144xf32, #tpu.memory_space<vmem>>, vector<16xf32>,
      %mul3A_54 = arith.constant 16 : i32
      %mul3A_55 = arith.muli %scan3A_42, %mul3A_54 : i32
      %swap3A_56 = arith.constant 1 : i32
      %swap3A_57 = arith.index_cast %swap3A_56 : i32 to index
      %swap3A_58 = arith.index_cast %mul3A_55 : i32 to index
      %swap3A_59 = tpu.vector_load %arg5[%swap3A_57, %swap3A_58] {strides = array<i32>} : memref<8x6144xf32, #tpu.memory_space<vmem>>, vector<16xf32>,
      tpu.vector_store %arg5[%swap3A_57, %swap3A_58], %broadcast_in_dim3A_5 {strides = array<i32>} : memref<8x6144xf32, #tpu.memory_space<vmem>>, vector<16xf32>,
      %mul3A_60 = arith.constant 16 : i32
      %mul3A_61 = arith.muli %scan3A_42, %mul3A_60 : i32
      %swap3A_62 = arith.constant 1 : i32
      %swap3A_63 = arith.index_cast %swap3A_62 : i32 to index
      %swap3A_64 = arith.index_cast %mul3A_61 : i32 to index
      %swap3A_65 = tpu.vector_load %arg6[%swap3A_63, %swap3A_64] {strides = array<i32>} : memref<8x6144xf32, #tpu.memory_space<vmem>>, vector<16xf32>,
      tpu.vector_store %arg6[%swap3A_63, %swap3A_64], %broadcast_in_dim3A_5 {strides = array<i32>} : memref<8x6144xf32, #tpu.memory_space<vmem>>, vector<16xf32>,
      %mul3A_66 = arith.constant 16 : i32
      %mul3A_67 = arith.muli %scan3A_42, %mul3A_66 : i32
      %swap3A_68 = arith.constant 2 : i32
      %swap3A_69 = arith.index_cast %swap3A_68 : i32 to index
      %swap3A_70 = arith.index_cast %mul3A_67 : i32 to index
      %swap3A_71 = tpu.vector_load %arg5[%swap3A_69, %swap3A_70] {strides = array<i32>} : memref<8x6144xf32, #tpu.memory_space<vmem>>, vector<16xf32>,
      tpu.vector_store %arg5[%swap3A_69, %swap3A_70], %broadcast_in_dim3A_5 {strides = array<i32>} : memref<8x6144xf32, #tpu.memory_space<vmem>>, vector<16xf32>,
      %mul3A_72 = arith.constant 16 : i32
      %mul3A_73 = arith.muli %scan3A_42, %mul3A_72 : i32
      %swap3A_74 = arith.constant 2 : i32
      %swap3A_75 = arith.index_cast %swap3A_74 : i32 to index
      %swap3A_76 = arith.index_cast %mul3A_73 : i32 to index
      %swap3A_77 = tpu.vector_load %arg6[%swap3A_75, %swap3A_76] {strides = array<i32>} : memref<8x6144xf32, #tpu.memory_space<vmem>>, vector<16xf32>,
      tpu.vector_store %arg6[%swap3A_75, %swap3A_76], %broadcast_in_dim3A_5 {strides = array<i32>} : memref<8x6144xf32, #tpu.memory_space<vmem>>, vector<16xf32>,
      %mul3A_78 = arith.constant 16 : i32
      %mul3A_79 = arith.muli %scan3A_42, %mul3A_78 : i32
      %swap3A_80 = arith.constant 3 : i32
      %swap3A_81 = arith.index_cast %swap3A_80 : i32 to index
      %swap3A_82 = arith.index_cast %mul3A_79 : i32 to index
      %swap3A_83 = tpu.vector_load %arg5[%swap3A_81, %swap3A_82] {strides = array<i32>} : memref<8x6144xf32, #tpu.memory_space<vmem>>, vector<16xf32>,
      tpu.vector_store %arg5[%swap3A_81, %swap3A_82], %broadcast_in_dim3A_5 {strides = array<i32>} : memref<8x6144xf32, #tpu.memory_space<vmem>>, vector<16xf32>,
      %mul3A_84 = arith.constant 16 : i32
      %mul3A_85 = arith.muli %scan3A_42, %mul3A_84 : i32
      %swap3A_86 = arith.constant 3 : i32
      %swap3A_87 = arith.index_cast %swap3A_86 : i32 to index
      %swap3A_88 = arith.index_cast %mul3A_85 : i32 to index
      %swap3A_89 = tpu.vector_load %arg6[%swap3A_87, %swap3A_88] {strides = array<i32>} : memref<8x6144xf32, #tpu.memory_space<vmem>>, vector<16xf32>,
      tpu.vector_store %arg6[%swap3A_87, %swap3A_88], %broadcast_in_dim3A_5 {strides = array<i32>} : memref<8x6144xf32, #tpu.memory_space<vmem>>, vector<16xf32>,
      %mul3A_90 = arith.constant 16 : i32
      %mul3A_91 = arith.muli %scan3A_42, %mul3A_90 : i32
      %swap3A_92 = arith.constant 4 : i32
      %swap3A_93 = arith.index_cast %swap3A_92 : i32 to index
      %swap3A_94 = arith.index_cast %mul3A_91 : i32 to index
      %swap3A_95 = tpu.vector_load %arg5[%swap3A_93, %swap3A_94] {strides = array<i32>} : memref<8x6144xf32, #tpu.memory_space<vmem>>, vector<16xf32>,
      tpu.vector_store %arg5[%swap3A_93, %swap3A_94], %broadcast_in_dim3A_5 {strides = array<i32>} : memref<8x6144xf32, #tpu.memory_space<vmem>>, vector<16xf32>,
      %mul3A_96 = arith.constant 16 : i32
      %mul3A_97 = arith.muli %scan3A_42, %mul3A_96 : i32
      %swap3A_98 = arith.constant 4 : i32
      %swap3A_99 = arith.index_cast %swap3A_98 : i32 to index
      %swap3A_100 = arith.index_cast %mul3A_97 : i32 to index
      %swap3A_101 = tpu.vector_load %arg6[%swap3A_99, %swap3A_100] {strides = array<i32>} : memref<8x6144xf32, #tpu.memory_space<vmem>>, vector<16xf32>,
      tpu.vector_store %arg6[%swap3A_99, %swap3A_100], %broadcast_in_dim3A_5 {strides = array<i32>} : memref<8x6144xf32, #tpu.memory_space<vmem>>, vector<16xf32>,
      %mul3A_102 = arith.constant 16 : i32
      %mul3A_103 = arith.muli %scan3A_42, %mul3A_102 : i32
      %swap3A_104 = arith.constant 5 : i32
      %swap3A_105 = arith.index_cast %swap3A_104 : i32 to index
      %swap3A_106 = arith.index_cast %mul3A_103 : i32 to index
      %swap3A_107 = tpu.vector_load %arg5[%swap3A_105, %swap3A_106] {strides = array<i32>} : memref<8x6144xf32, #tpu.memory_space<vmem>>, vector<16xf32>,
      tpu.vector_store %arg5[%swap3A_105, %swap3A_106], %broadcast_in_dim3A_5 {strides = array<i32>} : memref<8x6144xf32, #tpu.memory_space<vmem>>, vector<16xf32>,
      %mul3A_108 = arith.constant 16 : i32
      %mul3A_109 = arith.muli %scan3A_42, %mul3A_108 : i32
      %swap3A_110 = arith.constant 5 : i32
      %swap3A_111 = arith.index_cast %swap3A_110 : i32 to index
      %swap3A_112 = arith.index_cast %mul3A_109 : i32 to index
      %swap3A_113 = tpu.vector_load %arg6[%swap3A_111, %swap3A_112] {strides = array<i32>} : memref<8x6144xf32, #tpu.memory_space<vmem>>, vector<16xf32>,
      tpu.vector_store %arg6[%swap3A_111, %swap3A_112], %broadcast_in_dim3A_5 {strides = array<i32>} : memref<8x6144xf32, #tpu.memory_space<vmem>>, vector<16xf32>,
      %mul3A_114 = arith.constant 16 : i32
      %mul3A_115 = arith.muli %scan3A_42, %mul3A_114 : i32
      %swap3A_116 = arith.constant 6 : i32
      %swap3A_117 = arith.index_cast %swap3A_116 : i32 to index
      %swap3A_118 = arith.index_cast %mul3A_115 : i32 to index
      %swap3A_119 = tpu.vector_load %arg5[%swap3A_117, %swap3A_118] {strides = array<i32>} : memref<8x6144xf32, #tpu.memory_space<vmem>>, vector<16xf32>,
      tpu.vector_store %arg5[%swap3A_117, %swap3A_118], %broadcast_in_dim3A_5 {strides = array<i32>} : memref<8x6144xf32, #tpu.memory_space<vmem>>, vector<16xf32>,
      %mul3A_120 = arith.constant 16 : i32
      %mul3A_121 = arith.muli %scan3A_42, %mul3A_120 : i32
      %swap3A_122 = arith.constant 6 : i32
      %swap3A_123 = arith.index_cast %swap3A_122 : i32 to index
      %swap3A_124 = arith.index_cast %mul3A_121 : i32 to index
      %swap3A_125 = tpu.vector_load %arg6[%swap3A_123, %swap3A_124] {strides = array<i32>} : memref<8x6144xf32, #tpu.memory_space<vmem>>, vector<16xf32>,
      tpu.vector_store %arg6[%swap3A_123, %swap3A_124], %broadcast_in_dim3A_5 {strides = array<i32>} : memref<8x6144xf32, #tpu.memory_space<vmem>>, vector<16xf32>,
      %mul3A_126 = arith.constant 16 : i32
      %mul3A_127 = arith.muli %scan3A_42, %mul3A_126 : i32
      %swap3A_128 = arith.constant 7 : i32
      %swap3A_129 = arith.index_cast %swap3A_128 : i32 to index
      %swap3A_130 = arith.index_cast %mul3A_127 : i32 to index
      %swap3A_131 = tpu.vector_load %arg5[%swap3A_129, %swap3A_130] {strides = array<i32>} : memref<8x6144xf32, #tpu.memory_space<vmem>>, vector<16xf32>,
      tpu.vector_store %arg5[%swap3A_129, %swap3A_130], %broadcast_in_dim3A_5 {strides = array<i32>} : memref<8x6144xf32, #tpu.memory_space<vmem>>, vector<16xf32>,
      %mul3A_132 = arith.constant 16 : i32
      %mul3A_133 = arith.muli %scan3A_42, %mul3A_132 : i32
      %swap3A_134 = arith.constant 7 : i32
      %swap3A_135 = arith.index_cast %swap3A_134 : i32 to index
      %swap3A_136 = arith.index_cast %mul3A_133 : i32 to index
      %swap3A_137 = tpu.vector_load %arg6[%swap3A_135, %swap3A_136] {strides = array<i32>} : memref<8x6144xf32, #tpu.memory_space<vmem>>, vector<16xf32>,
      tpu.vector_store %arg6[%swap3A_135, %swap3A_136], %broadcast_in_dim3A_5 {strides = array<i32>} : memref<8x6144xf32, #tpu.memory_space<vmem>>, vector<16xf32>,
    }
    %scan3A_12 = arith.constant 384 : i32
    %scan3A_13 = arith.constant 0 : i32
    %scan3A_14 = arith.constant 0 : i32
    %scan3A_15 = arith.constant 106 : i32
    %scan3A_16 = arith.addi %scan3A_14, %scan3A_15 : i32
    %scan3A_17 = arith.constant 1 : i32
    scf.for %scan3A_42 = %scan3A_14 to %scan3A_16 step %scan3A_17  : i32 {
      %mul3A_43 = arith.constant 16 : i32
      %mul3A_44 = arith.muli %scan3A_42, %mul3A_43 : i32
      %swap3A = arith.constant 0 : i32
      %swap3A_45 = arith.index_cast %swap3A : i32 to index
      %swap3A_46 = arith.index_cast %mul3A_44 : i32 to index
      %swap3A_47 = tpu.vector_load %arg7[%swap3A_45, %swap3A_46] {strides = array<i32>} : memref<8x1696xf32, #tpu.memory_space<vmem>>, vector<16xf32>,
      tpu.vector_store %arg7[%swap3A_45, %swap3A_46], %broadcast_in_dim3A_5 {strides = array<i32>} : memref<8x1696xf32, #tpu.memory_space<vmem>>, vector<16xf32>,
      %mul3A_48 = arith.constant 16 : i32
      %mul3A_49 = arith.muli %scan3A_42, %mul3A_48 : i32
      %swap3A_50 = arith.constant 1 : i32
      %swap3A_51 = arith.index_cast %swap3A_50 : i32 to index
      %swap3A_52 = arith.index_cast %mul3A_49 : i32 to index
      %swap3A_53 = tpu.vector_load %arg7[%swap3A_51, %swap3A_52] {strides = array<i32>} : memref<8x1696xf32, #tpu.memory_space<vmem>>, vector<16xf32>,
      tpu.vector_store %arg7[%swap3A_51, %swap3A_52], %broadcast_in_dim3A_5 {strides = array<i32>} : memref<8x1696xf32, #tpu.memory_space<vmem>>, vector<16xf32>,
      %mul3A_54 = arith.constant 16 : i32
      %mul3A_55 = arith.muli %scan3A_42, %mul3A_54 : i32
      %swap3A_56 = arith.constant 2 : i32
      %swap3A_57 = arith.index_cast %swap3A_56 : i32 to index
      %swap3A_58 = arith.index_cast %mul3A_55 : i32 to index
      %swap3A_59 = tpu.vector_load %arg7[%swap3A_57, %swap3A_58] {strides = array<i32>} : memref<8x1696xf32, #tpu.memory_space<vmem>>, vector<16xf32>,
      tpu.vector_store %arg7[%swap3A_57, %swap3A_58], %broadcast_in_dim3A_5 {strides = array<i32>} : memref<8x1696xf32, #tpu.memory_space<vmem>>, vector<16xf32>,
      %mul3A_60 = arith.constant 16 : i32
      %mul3A_61 = arith.muli %scan3A_42, %mul3A_60 : i32
      %swap3A_62 = arith.constant 3 : i32
      %swap3A_63 = arith.index_cast %swap3A_62 : i32 to index
      %swap3A_64 = arith.index_cast %mul3A_61 : i32 to index
      %swap3A_65 = tpu.vector_load %arg7[%swap3A_63, %swap3A_64] {strides = array<i32>} : memref<8x1696xf32, #tpu.memory_space<vmem>>, vector<16xf32>,
      tpu.vector_store %arg7[%swap3A_63, %swap3A_64], %broadcast_in_dim3A_5 {strides = array<i32>} : memref<8x1696xf32, #tpu.memory_space<vmem>>, vector<16xf32>,
      %mul3A_66 = arith.constant 16 : i32
      %mul3A_67 = arith.muli %scan3A_42, %mul3A_66 : i32
      %swap3A_68 = arith.constant 4 : i32
      %swap3A_69 = arith.index_cast %swap3A_68 : i32 to index
      %swap3A_70 = arith.index_cast %mul3A_67 : i32 to index
      %swap3A_71 = tpu.vector_load %arg7[%swap3A_69, %swap3A_70] {strides = array<i32>} : memref<8x1696xf32, #tpu.memory_space<vmem>>, vector<16xf32>,
      tpu.vector_store %arg7[%swap3A_69, %swap3A_70], %broadcast_in_dim3A_5 {strides = array<i32>} : memref<8x1696xf32, #tpu.memory_space<vmem>>, vector<16xf32>,
      %mul3A_72 = arith.constant 16 : i32
      %mul3A_73 = arith.muli %scan3A_42, %mul3A_72 : i32
      %swap3A_74 = arith.constant 5 : i32
      %swap3A_75 = arith.index_cast %swap3A_74 : i32 to index
      %swap3A_76 = arith.index_cast %mul3A_73 : i32 to index
      %swap3A_77 = tpu.vector_load %arg7[%swap3A_75, %swap3A_76] {strides = array<i32>} : memref<8x1696xf32, #tpu.memory_space<vmem>>, vector<16xf32>,
      tpu.vector_store %arg7[%swap3A_75, %swap3A_76], %broadcast_in_dim3A_5 {strides = array<i32>} : memref<8x1696xf32, #tpu.memory_space<vmem>>, vector<16xf32>,
      %mul3A_78 = arith.constant 16 : i32
      %mul3A_79 = arith.muli %scan3A_42, %mul3A_78 : i32
      %swap3A_80 = arith.constant 6 : i32
      %swap3A_81 = arith.index_cast %swap3A_80 : i32 to index
      %swap3A_82 = arith.index_cast %mul3A_79 : i32 to index
      %swap3A_83 = tpu.vector_load %arg7[%swap3A_81, %swap3A_82] {strides = array<i32>} : memref<8x1696xf32, #tpu.memory_space<vmem>>, vector<16xf32>,
      tpu.vector_store %arg7[%swap3A_81, %swap3A_82], %broadcast_in_dim3A_5 {strides = array<i32>} : memref<8x1696xf32, #tpu.memory_space<vmem>>, vector<16xf32>,
      %mul3A_84 = arith.constant 16 : i32
      %mul3A_85 = arith.muli %scan3A_42, %mul3A_84 : i32
      %swap3A_86 = arith.constant 7 : i32
      %swap3A_87 = arith.index_cast %swap3A_86 : i32 to index
      %swap3A_88 = arith.index_cast %mul3A_85 : i32 to index
      %swap3A_89 = tpu.vector_load %arg7[%swap3A_87, %swap3A_88] {strides = array<i32>} : memref<8x1696xf32, #tpu.memory_space<vmem>>, vector<16xf32>,
      tpu.vector_store %arg7[%swap3A_87, %swap3A_88], %broadcast_in_dim3A_5 {strides = array<i32>} : memref<8x1696xf32, #tpu.memory_space<vmem>>, vector<16xf32>,
    }
    %scan3A_18 = arith.constant 106 : i32
    %scan3A_19 = arith.constant 0 : i32
    %scan3A_20 = arith.constant 0 : i32
    %scan3A_21 = arith.constant 4 : i32
    %scan3A_22 = arith.addi %scan3A_20, %scan3A_21 : i32
    %scan3A_23 = arith.constant 1 : i32
    scf.for %scan3A_42 = %scan3A_20 to %scan3A_22 step %scan3A_23  : i32 {
      %add3A_43 = arith.addi %mul3A_4, %scan3A_42 : i32
      %scan3A_44 = arith.constant 0 : i32
      %scan3A_45 = arith.constant 0 : i32
      %scan3A_46 = arith.constant 8 : i32
      %scan3A_47 = arith.addi %scan3A_45, %scan3A_46 : i32
      %scan3A_48 = arith.constant 1 : i32
      scf.for %scan3A_64 = %scan3A_45 to %scan3A_47 step %scan3A_48  : i32 {
        %mul3A_65 = arith.constant 2 : i32
        %mul3A_66 = arith.muli %mul3A_65, %scan3A_64 : i32
        %add3A_67 = arith.constant 0 : i32
        %add3A_68 = arith.addi %mul3A_66, %add3A_67 : i32
        %mul3A_69 = arith.constant 6144 : i32
        %mul3A_70 = arith.muli %add3A_68, %mul3A_69 : i32
        %ge3A = arith.constant 2 : i32
        %ge3A_71 = arith.cmpi sge, %add3A_68, %ge3A : i32
        %gt3A_72 = arith.constant 0 : i32
        %gt3A_73 = arith.cmpi sgt, %scan3A_42, %gt3A_72 : i32
        %or3A = arith.ori %ge3A_71, %gt3A_73 : i1
        %convert_element_type3A_74 = arith.extui %or3A : i1 to i32
        %cond3A_75 = arith.constant 0 : i32
        %cond3A_76 = arith.cmpi ne, %convert_element_type3A_74, %cond3A_75 : i32
        scf.if %cond3A_76 {
          %ge3A_113 = arith.constant 2 : i32
          %ge3A_114 = arith.cmpi sge, %add3A_68, %ge3A_113 : i32
          %sub3A = arith.constant 2 : i32
          %sub3A_115 = arith.subi %add3A_68, %sub3A : i32
          %add3A_116 = arith.constant 14 : i32
          %add3A_117 = arith.addi %add3A_116, %add3A_68 : i32
          %select_n3A = arith.select %ge3A_114, %sub3A_115, %add3A_117 : i32
          %ge3A_118 = arith.constant 2 : i32
          %ge3A_119 = arith.cmpi sge, %add3A_68, %ge3A_118 : i32
          %sub3A_120 = arith.constant 1 : i32
          %sub3A_121 = arith.subi %scan3A_42, %sub3A_120 : i32
          %select_n3A_122 = arith.select %ge3A_119, %scan3A_42, %sub3A_121 : i32
          %dma_wait3A_123 = arith.constant 0 : i32
          %dma_wait3A_124 = arith.constant 0 : i32
          %dma_wait3A_125 = tpu.memref_slice %arg3[%dma_wait3A_123, %dma_wait3A_124] : memref<1024x100000xf32, #tpu.memory_space<hbm>> -> memref<8x6144xf32, #tpu.memory_space<hbm>>
          %dma_wait3A_126 = arith.constant 0 : i32
          %dma_wait3A_127 = arith.constant 0 : i32
          %dma_wait3A_128 = tpu.memref_slice %arg3[%dma_wait3A_126, %dma_wait3A_127] : memref<1024x100000xf32, #tpu.memory_space<hbm>> -> memref<8x6144xf32, #tpu.memory_space<hbm>>
          tpu.wait_dma2 semaphore(%arg8 : memref<!tpu.dma_semaphore, #tpu.memory_space<semaphore_mem>>) src(%arg5 : memref<8x6144xf32, #tpu.memory_space<vmem>>) dst(%dma_wait3A_128 : memref<8x6144xf32, #tpu.memory_space<hbm>>)
          %mul3A_129 = arith.constant 6144 : i32
          %mul3A_130 = arith.muli %select_n3A, %mul3A_129 : i32
          %scan3A_131 = arith.constant 0 : i32
          %scan3A_132 = arith.constant 6144 : i32
          %scan3A_133 = arith.constant 0 : i32
          %scan3A_134 = arith.constant 8 : i32
          %scan3A_135 = arith.addi %scan3A_133, %scan3A_134 : i32
          %scan3A_136 = arith.constant 1 : i32
          scf.for %scan3A_138 = %scan3A_133 to %scan3A_135 step %scan3A_136  : i32 {
            %mul3A_139 = arith.constant 8 : i32
            %mul3A_140 = arith.muli %select_n3A_122, %mul3A_139 : i32
            %add3A_141 = arith.addi %mul3A_140, %scan3A_138 : i32
            %broadcast_in_dim3A_142 = vector.broadcast %scan3A_138 : i32 to vector<16xi32>
            %get3A = arith.index_cast %add3A_141 : i32 to index
            %get3A_143 = arith.constant 0 : index
            %get3A_144 = tpu.vector_load %arg4[%get3A, %get3A_143] {strides = array<i32>} : memref<32x208xi32, #tpu.memory_space<vmem>>, vector<16xi32>,
            %sub3A_145 = vector.broadcast %mul3A_130 : i32 to vector<16xi32>
            %sub3A_146 = arith.subi %get3A_144, %sub3A_145 : vector<16xi32>
            %lt3A = vector.broadcast %scan3A_132 : i32 to vector<16xi32>
            %lt3A_147 = arith.cmpi ult, %sub3A_146, %lt3A : vector<16xi32>
            tpu.vector_store_idx %arg5[%broadcast_in_dim3A_142, %sub3A_146], %broadcast_in_dim3A_5 masked %lt3A_147 : memref<8x6144xf32, #tpu.memory_space<vmem>>[vector<16xi32>, vector<16xi32>], vector<16xf32>, vector<16xi1>
            %get3A_148 = arith.index_cast %add3A_141 : i32 to index
            %get3A_149 = arith.constant 16 : index
            %get3A_150 = tpu.vector_load %arg4[%get3A_148, %get3A_149] {strides = array<i32>} : memref<32x208xi32, #tpu.memory_space<vmem>>, vector<16xi32>,
            %sub3A_151 = vector.broadcast %mul3A_130 : i32 to vector<16xi32>
            %sub3A_152 = arith.subi %get3A_150, %sub3A_151 : vector<16xi32>
            %lt3A_153 = vector.broadcast %scan3A_132 : i32 to vector<16xi32>
            %lt3A_154 = arith.cmpi ult, %sub3A_152, %lt3A_153 : vector<16xi32>
            tpu.vector_store_idx %arg5[%broadcast_in_dim3A_142, %sub3A_152], %broadcast_in_dim3A_5 masked %lt3A_154 : memref<8x6144xf32, #tpu.memory_space<vmem>>[vector<16xi32>, vector<16xi32>], vector<16xf32>, vector<16xi1>
            %get3A_155 = arith.index_cast %add3A_141 : i32 to index
            %get3A_156 = arith.constant 32 : index
            %get3A_157 = tpu.vector_load %arg4[%get3A_155, %get3A_156] {strides = array<i32>} : memref<32x208xi32, #tpu.memory_space<vmem>>, vector<16xi32>,
            %sub3A_158 = vector.broadcast %mul3A_130 : i32 to vector<16xi32>
            %sub3A_159 = arith.subi %get3A_157, %sub3A_158 : vector<16xi32>
            %lt3A_160 = vector.broadcast %scan3A_132 : i32 to vector<16xi32>
            %lt3A_161 = arith.cmpi ult, %sub3A_159, %lt3A_160 : vector<16xi32>
            tpu.vector_store_idx %arg5[%broadcast_in_dim3A_142, %sub3A_159], %broadcast_in_dim3A_5 masked %lt3A_161 : memref<8x6144xf32, #tpu.memory_space<vmem>>[vector<16xi32>, vector<16xi32>], vector<16xf32>, vector<16xi1>
            %get3A_162 = arith.index_cast %add3A_141 : i32 to index
            %get3A_163 = arith.constant 48 : index
            %get3A_164 = tpu.vector_load %arg4[%get3A_162, %get3A_163] {strides = array<i32>} : memref<32x208xi32, #tpu.memory_space<vmem>>, vector<16xi32>,
            %sub3A_165 = vector.broadcast %mul3A_130 : i32 to vector<16xi32>
            %sub3A_166 = arith.subi %get3A_164, %sub3A_165 : vector<16xi32>
            %lt3A_167 = vector.broadcast %scan3A_132 : i32 to vector<16xi32>
            %lt3A_168 = arith.cmpi ult, %sub3A_166, %lt3A_167 : vector<16xi32>
            tpu.vector_store_idx %arg5[%broadcast_in_dim3A_142, %sub3A_166], %broadcast_in_dim3A_5 masked %lt3A_168 : memref<8x6144xf32, #tpu.memory_space<vmem>>[vector<16xi32>, vector<16xi32>], vector<16xf32>, vector<16xi1>
            %get3A_169 = arith.index_cast %add3A_141 : i32 to index
            %get3A_170 = arith.constant 64 : index
            %get3A_171 = tpu.vector_load %arg4[%get3A_169, %get3A_170] {strides = array<i32>} : memref<32x208xi32, #tpu.memory_space<vmem>>, vector<16xi32>,
            %sub3A_172 = vector.broadcast %mul3A_130 : i32 to vector<16xi32>
            %sub3A_173 = arith.subi %get3A_171, %sub3A_172 : vector<16xi32>
            %lt3A_174 = vector.broadcast %scan3A_132 : i32 to vector<16xi32>
            %lt3A_175 = arith.cmpi ult, %sub3A_173, %lt3A_174 : vector<16xi32>
            tpu.vector_store_idx %arg5[%broadcast_in_dim3A_142, %sub3A_173], %broadcast_in_dim3A_5 masked %lt3A_175 : memref<8x6144xf32, #tpu.memory_space<vmem>>[vector<16xi32>, vector<16xi32>], vector<16xf32>, vector<16xi1>
            %get3A_176 = arith.index_cast %add3A_141 : i32 to index
            %get3A_177 = arith.constant 80 : index
            %get3A_178 = tpu.vector_load %arg4[%get3A_176, %get3A_177] {strides = array<i32>} : memref<32x208xi32, #tpu.memory_space<vmem>>, vector<16xi32>,
            %sub3A_179 = vector.broadcast %mul3A_130 : i32 to vector<16xi32>
            %sub3A_180 = arith.subi %get3A_178, %sub3A_179 : vector<16xi32>
            %lt3A_181 = vector.broadcast %scan3A_132 : i32 to vector<16xi32>
            %lt3A_182 = arith.cmpi ult, %sub3A_180, %lt3A_181 : vector<16xi32>
            tpu.vector_store_idx %arg5[%broadcast_in_dim3A_142, %sub3A_180], %broadcast_in_dim3A_5 masked %lt3A_182 : memref<8x6144xf32, #tpu.memory_space<vmem>>[vector<16xi32>, vector<16xi32>], vector<16xf32>, vector<16xi1>
            %get3A_183 = arith.index_cast %add3A_141 : i32 to index
            %get3A_184 = arith.constant 96 : index
            %get3A_185 = tpu.vector_load %arg4[%get3A_183, %get3A_184] {strides = array<i32>} : memref<32x208xi32, #tpu.memory_space<vmem>>, vector<16xi32>,
            %sub3A_186 = vector.broadcast %mul3A_130 : i32 to vector<16xi32>
            %sub3A_187 = arith.subi %get3A_185, %sub3A_186 : vector<16xi32>
            %lt3A_188 = vector.broadcast %scan3A_132 : i32 to vector<16xi32>
            %lt3A_189 = arith.cmpi ult, %sub3A_187, %lt3A_188 : vector<16xi32>
            tpu.vector_store_idx %arg5[%broadcast_in_dim3A_142, %sub3A_187], %broadcast_in_dim3A_5 masked %lt3A_189 : memref<8x6144xf32, #tpu.memory_space<vmem>>[vector<16xi32>, vector<16xi32>], vector<16xf32>, vector<16xi1>
            %get3A_190 = arith.index_cast %add3A_141 : i32 to index
            %get3A_191 = arith.constant 112 : index
            %get3A_192 = tpu.vector_load %arg4[%get3A_190, %get3A_191] {strides = array<i32>} : memref<32x208xi32, #tpu.memory_space<vmem>>, vector<16xi32>,
            %sub3A_193 = vector.broadcast %mul3A_130 : i32 to vector<16xi32>
            %sub3A_194 = arith.subi %get3A_192, %sub3A_193 : vector<16xi32>
            %lt3A_195 = vector.broadcast %scan3A_132 : i32 to vector<16xi32>
            %lt3A_196 = arith.cmpi ult, %sub3A_194, %lt3A_195 : vector<16xi32>
            tpu.vector_store_idx %arg5[%broadcast_in_dim3A_142, %sub3A_194], %broadcast_in_dim3A_5 masked %lt3A_196 : memref<8x6144xf32, #tpu.memory_space<vmem>>[vector<16xi32>, vector<16xi32>], vector<16xf32>, vector<16xi1>
            %get3A_197 = arith.index_cast %add3A_141 : i32 to index
            %get3A_198 = arith.constant 128 : index
            %get3A_199 = tpu.vector_load %arg4[%get3A_197, %get3A_198] {strides = array<i32>} : memref<32x208xi32, #tpu.memory_space<vmem>>, vector<16xi32>,
            %sub3A_200 = vector.broadcast %mul3A_130 : i32 to vector<16xi32>
            %sub3A_201 = arith.subi %get3A_199, %sub3A_200 : vector<16xi32>
            %lt3A_202 = vector.broadcast %scan3A_132 : i32 to vector<16xi32>
            %lt3A_203 = arith.cmpi ult, %sub3A_201, %lt3A_202 : vector<16xi32>
            tpu.vector_store_idx %arg5[%broadcast_in_dim3A_142, %sub3A_201], %broadcast_in_dim3A_5 masked %lt3A_203 : memref<8x6144xf32, #tpu.memory_space<vmem>>[vector<16xi32>, vector<16xi32>], vector<16xf32>, vector<16xi1>
            %get3A_204 = arith.index_cast %add3A_141 : i32 to index
            %get3A_205 = arith.constant 144 : index
            %get3A_206 = tpu.vector_load %arg4[%get3A_204, %get3A_205] {strides = array<i32>} : memref<32x208xi32, #tpu.memory_space<vmem>>, vector<16xi32>,
            %sub3A_207 = vector.broadcast %mul3A_130 : i32 to vector<16xi32>
            %sub3A_208 = arith.subi %get3A_206, %sub3A_207 : vector<16xi32>
            %lt3A_209 = vector.broadcast %scan3A_132 : i32 to vector<16xi32>
            %lt3A_210 = arith.cmpi ult, %sub3A_208, %lt3A_209 : vector<16xi32>
            tpu.vector_store_idx %arg5[%broadcast_in_dim3A_142, %sub3A_208], %broadcast_in_dim3A_5 masked %lt3A_210 : memref<8x6144xf32, #tpu.memory_space<vmem>>[vector<16xi32>, vector<16xi32>], vector<16xf32>, vector<16xi1>
            %get3A_211 = arith.index_cast %add3A_141 : i32 to index
            %get3A_212 = arith.constant 160 : index
            %get3A_213 = tpu.vector_load %arg4[%get3A_211, %get3A_212] {strides = array<i32>} : memref<32x208xi32, #tpu.memory_space<vmem>>, vector<16xi32>,
            %sub3A_214 = vector.broadcast %mul3A_130 : i32 to vector<16xi32>
            %sub3A_215 = arith.subi %get3A_213, %sub3A_214 : vector<16xi32>
            %lt3A_216 = vector.broadcast %scan3A_132 : i32 to vector<16xi32>
            %lt3A_217 = arith.cmpi ult, %sub3A_215, %lt3A_216 : vector<16xi32>
            tpu.vector_store_idx %arg5[%broadcast_in_dim3A_142, %sub3A_215], %broadcast_in_dim3A_5 masked %lt3A_217 : memref<8x6144xf32, #tpu.memory_space<vmem>>[vector<16xi32>, vector<16xi32>], vector<16xf32>, vector<16xi1>
            %get3A_218 = arith.index_cast %add3A_141 : i32 to index
            %get3A_219 = arith.constant 176 : index
            %get3A_220 = tpu.vector_load %arg4[%get3A_218, %get3A_219] {strides = array<i32>} : memref<32x208xi32, #tpu.memory_space<vmem>>, vector<16xi32>,
            %sub3A_221 = vector.broadcast %mul3A_130 : i32 to vector<16xi32>
            %sub3A_222 = arith.subi %get3A_220, %sub3A_221 : vector<16xi32>
            %lt3A_223 = vector.broadcast %scan3A_132 : i32 to vector<16xi32>
            %lt3A_224 = arith.cmpi ult, %sub3A_222, %lt3A_223 : vector<16xi32>
            tpu.vector_store_idx %arg5[%broadcast_in_dim3A_142, %sub3A_222], %broadcast_in_dim3A_5 masked %lt3A_224 : memref<8x6144xf32, #tpu.memory_space<vmem>>[vector<16xi32>, vector<16xi32>], vector<16xf32>, vector<16xi1>
            %get3A_225 = arith.index_cast %add3A_141 : i32 to index
            %get3A_226 = arith.constant 192 : index
            %get3A_227 = tpu.vector_load %arg4[%get3A_225, %get3A_226] {strides = array<i32>} : memref<32x208xi32, #tpu.memory_space<vmem>>, vector<16xi32>,
            %sub3A_228 = vector.broadcast %mul3A_130 : i32 to vector<16xi32>
            %sub3A_229 = arith.subi %get3A_227, %sub3A_228 : vector<16xi32>
            %lt3A_230 = vector.broadcast %scan3A_132 : i32 to vector<16xi32>
            %lt3A_231 = arith.cmpi ult, %sub3A_229, %lt3A_230 : vector<16xi32>
            tpu.vector_store_idx %arg5[%broadcast_in_dim3A_142, %sub3A_229], %broadcast_in_dim3A_5 masked %lt3A_231 : memref<8x6144xf32, #tpu.memory_space<vmem>>[vector<16xi32>, vector<16xi32>], vector<16xf32>, vector<16xi1>
          }
          %scan3A_137 = arith.constant 8 : i32
        } else {
        }
        %scan3A_77 = arith.constant 0 : i32
        %scan3A_78 = arith.constant 6144 : i32
        %scan3A_79 = arith.constant 0 : i32
        %scan3A_80 = arith.constant 8 : i32
        %scan3A_81 = arith.addi %scan3A_79, %scan3A_80 : i32
        %scan3A_82 = arith.constant 1 : i32
        scf.for %scan3A_113 = %scan3A_79 to %scan3A_81 step %scan3A_82  : i32 {
          %mul3A_114 = arith.constant 8 : i32
          %mul3A_115 = arith.muli %scan3A_42, %mul3A_114 : i32
          %add3A_116 = arith.addi %mul3A_115, %scan3A_113 : i32
          %broadcast_in_dim3A_117 = vector.broadcast %scan3A_113 : i32 to vector<16xi32>
          %get3A = arith.index_cast %add3A_116 : i32 to index
          %get3A_118 = arith.constant 0 : index
          %get3A_119 = tpu.vector_load %arg4[%get3A, %get3A_118] {strides = array<i32>} : memref<32x208xi32, #tpu.memory_space<vmem>>, vector<16xi32>,
          %sub3A = vector.broadcast %mul3A_70 : i32 to vector<16xi32>
          %sub3A_120 = arith.subi %get3A_119, %sub3A : vector<16xi32>
          %lt3A = vector.broadcast %scan3A_78 : i32 to vector<16xi32>
          %lt3A_121 = arith.cmpi ult, %sub3A_120, %lt3A : vector<16xi32>
          tpu.vector_store_idx %arg5[%broadcast_in_dim3A_117, %sub3A_120], %broadcast_in_dim3A_7 masked %lt3A_121 : memref<8x6144xf32, #tpu.memory_space<vmem>>[vector<16xi32>, vector<16xi32>], vector<16xf32>, vector<16xi1>
          %get3A_122 = arith.index_cast %add3A_116 : i32 to index
          %get3A_123 = arith.constant 16 : index
          %get3A_124 = tpu.vector_load %arg4[%get3A_122, %get3A_123] {strides = array<i32>} : memref<32x208xi32, #tpu.memory_space<vmem>>, vector<16xi32>,
          %sub3A_125 = vector.broadcast %mul3A_70 : i32 to vector<16xi32>
          %sub3A_126 = arith.subi %get3A_124, %sub3A_125 : vector<16xi32>
          %lt3A_127 = vector.broadcast %scan3A_78 : i32 to vector<16xi32>
          %lt3A_128 = arith.cmpi ult, %sub3A_126, %lt3A_127 : vector<16xi32>
          tpu.vector_store_idx %arg5[%broadcast_in_dim3A_117, %sub3A_126], %broadcast_in_dim3A_7 masked %lt3A_128 : memref<8x6144xf32, #tpu.memory_space<vmem>>[vector<16xi32>, vector<16xi32>], vector<16xf32>, vector<16xi1>
          %get3A_129 = arith.index_cast %add3A_116 : i32 to index
          %get3A_130 = arith.constant 32 : index
          %get3A_131 = tpu.vector_load %arg4[%get3A_129, %get3A_130] {strides = array<i32>} : memref<32x208xi32, #tpu.memory_space<vmem>>, vector<16xi32>,
          %sub3A_132 = vector.broadcast %mul3A_70 : i32 to vector<16xi32>
          %sub3A_133 = arith.subi %get3A_131, %sub3A_132 : vector<16xi32>
          %lt3A_134 = vector.broadcast %scan3A_78 : i32 to vector<16xi32>
          %lt3A_135 = arith.cmpi ult, %sub3A_133, %lt3A_134 : vector<16xi32>
          tpu.vector_store_idx %arg5[%broadcast_in_dim3A_117, %sub3A_133], %broadcast_in_dim3A_7 masked %lt3A_135 : memref<8x6144xf32, #tpu.memory_space<vmem>>[vector<16xi32>, vector<16xi32>], vector<16xf32>, vector<16xi1>
          %get3A_136 = arith.index_cast %add3A_116 : i32 to index
          %get3A_137 = arith.constant 48 : index
          %get3A_138 = tpu.vector_load %arg4[%get3A_136, %get3A_137] {strides = array<i32>} : memref<32x208xi32, #tpu.memory_space<vmem>>, vector<16xi32>,
          %sub3A_139 = vector.broadcast %mul3A_70 : i32 to vector<16xi32>
          %sub3A_140 = arith.subi %get3A_138, %sub3A_139 : vector<16xi32>
          %lt3A_141 = vector.broadcast %scan3A_78 : i32 to vector<16xi32>
          %lt3A_142 = arith.cmpi ult, %sub3A_140, %lt3A_141 : vector<16xi32>
          tpu.vector_store_idx %arg5[%broadcast_in_dim3A_117, %sub3A_140], %broadcast_in_dim3A_7 masked %lt3A_142 : memref<8x6144xf32, #tpu.memory_space<vmem>>[vector<16xi32>, vector<16xi32>], vector<16xf32>, vector<16xi1>
          %get3A_143 = arith.index_cast %add3A_116 : i32 to index
          %get3A_144 = arith.constant 64 : index
          %get3A_145 = tpu.vector_load %arg4[%get3A_143, %get3A_144] {strides = array<i32>} : memref<32x208xi32, #tpu.memory_space<vmem>>, vector<16xi32>,
          %sub3A_146 = vector.broadcast %mul3A_70 : i32 to vector<16xi32>
          %sub3A_147 = arith.subi %get3A_145, %sub3A_146 : vector<16xi32>
          %lt3A_148 = vector.broadcast %scan3A_78 : i32 to vector<16xi32>
          %lt3A_149 = arith.cmpi ult, %sub3A_147, %lt3A_148 : vector<16xi32>
          tpu.vector_store_idx %arg5[%broadcast_in_dim3A_117, %sub3A_147], %broadcast_in_dim3A_7 masked %lt3A_149 : memref<8x6144xf32, #tpu.memory_space<vmem>>[vector<16xi32>, vector<16xi32>], vector<16xf32>, vector<16xi1>
          %get3A_150 = arith.index_cast %add3A_116 : i32 to index
          %get3A_151 = arith.constant 80 : index
          %get3A_152 = tpu.vector_load %arg4[%get3A_150, %get3A_151] {strides = array<i32>} : memref<32x208xi32, #tpu.memory_space<vmem>>, vector<16xi32>,
          %sub3A_153 = vector.broadcast %mul3A_70 : i32 to vector<16xi32>
          %sub3A_154 = arith.subi %get3A_152, %sub3A_153 : vector<16xi32>
          %lt3A_155 = vector.broadcast %scan3A_78 : i32 to vector<16xi32>
          %lt3A_156 = arith.cmpi ult, %sub3A_154, %lt3A_155 : vector<16xi32>
          tpu.vector_store_idx %arg5[%broadcast_in_dim3A_117, %sub3A_154], %broadcast_in_dim3A_7 masked %lt3A_156 : memref<8x6144xf32, #tpu.memory_space<vmem>>[vector<16xi32>, vector<16xi32>], vector<16xf32>, vector<16xi1>
          %get3A_157 = arith.index_cast %add3A_116 : i32 to index
          %get3A_158 = arith.constant 96 : index
          %get3A_159 = tpu.vector_load %arg4[%get3A_157, %get3A_158] {strides = array<i32>} : memref<32x208xi32, #tpu.memory_space<vmem>>, vector<16xi32>,
          %sub3A_160 = vector.broadcast %mul3A_70 : i32 to vector<16xi32>
          %sub3A_161 = arith.subi %get3A_159, %sub3A_160 : vector<16xi32>
          %lt3A_162 = vector.broadcast %scan3A_78 : i32 to vector<16xi32>
          %lt3A_163 = arith.cmpi ult, %sub3A_161, %lt3A_162 : vector<16xi32>
          tpu.vector_store_idx %arg5[%broadcast_in_dim3A_117, %sub3A_161], %broadcast_in_dim3A_7 masked %lt3A_163 : memref<8x6144xf32, #tpu.memory_space<vmem>>[vector<16xi32>, vector<16xi32>], vector<16xf32>, vector<16xi1>
          %get3A_164 = arith.index_cast %add3A_116 : i32 to index
          %get3A_165 = arith.constant 112 : index
          %get3A_166 = tpu.vector_load %arg4[%get3A_164, %get3A_165] {strides = array<i32>} : memref<32x208xi32, #tpu.memory_space<vmem>>, vector<16xi32>,
          %sub3A_167 = vector.broadcast %mul3A_70 : i32 to vector<16xi32>
          %sub3A_168 = arith.subi %get3A_166, %sub3A_167 : vector<16xi32>
          %lt3A_169 = vector.broadcast %scan3A_78 : i32 to vector<16xi32>
          %lt3A_170 = arith.cmpi ult, %sub3A_168, %lt3A_169 : vector<16xi32>
          tpu.vector_store_idx %arg5[%broadcast_in_dim3A_117, %sub3A_168], %broadcast_in_dim3A_7 masked %lt3A_170 : memref<8x6144xf32, #tpu.memory_space<vmem>>[vector<16xi32>, vector<16xi32>], vector<16xf32>, vector<16xi1>
          %get3A_171 = arith.index_cast %add3A_116 : i32 to index
          %get3A_172 = arith.constant 128 : index
          %get3A_173 = tpu.vector_load %arg4[%get3A_171, %get3A_172] {strides = array<i32>} : memref<32x208xi32, #tpu.memory_space<vmem>>, vector<16xi32>,
          %sub3A_174 = vector.broadcast %mul3A_70 : i32 to vector<16xi32>
          %sub3A_175 = arith.subi %get3A_173, %sub3A_174 : vector<16xi32>
          %lt3A_176 = vector.broadcast %scan3A_78 : i32 to vector<16xi32>
          %lt3A_177 = arith.cmpi ult, %sub3A_175, %lt3A_176 : vector<16xi32>
          tpu.vector_store_idx %arg5[%broadcast_in_dim3A_117, %sub3A_175], %broadcast_in_dim3A_7 masked %lt3A_177 : memref<8x6144xf32, #tpu.memory_space<vmem>>[vector<16xi32>, vector<16xi32>], vector<16xf32>, vector<16xi1>
          %get3A_178 = arith.index_cast %add3A_116 : i32 to index
          %get3A_179 = arith.constant 144 : index
          %get3A_180 = tpu.vector_load %arg4[%get3A_178, %get3A_179] {strides = array<i32>} : memref<32x208xi32, #tpu.memory_space<vmem>>, vector<16xi32>,
          %sub3A_181 = vector.broadcast %mul3A_70 : i32 to vector<16xi32>
          %sub3A_182 = arith.subi %get3A_180, %sub3A_181 : vector<16xi32>
          %lt3A_183 = vector.broadcast %scan3A_78 : i32 to vector<16xi32>
          %lt3A_184 = arith.cmpi ult, %sub3A_182, %lt3A_183 : vector<16xi32>
          tpu.vector_store_idx %arg5[%broadcast_in_dim3A_117, %sub3A_182], %broadcast_in_dim3A_7 masked %lt3A_184 : memref<8x6144xf32, #tpu.memory_space<vmem>>[vector<16xi32>, vector<16xi32>], vector<16xf32>, vector<16xi1>
          %get3A_185 = arith.index_cast %add3A_116 : i32 to index
          %get3A_186 = arith.constant 160 : index
          %get3A_187 = tpu.vector_load %arg4[%get3A_185, %get3A_186] {strides = array<i32>} : memref<32x208xi32, #tpu.memory_space<vmem>>, vector<16xi32>,
          %sub3A_188 = vector.broadcast %mul3A_70 : i32 to vector<16xi32>
          %sub3A_189 = arith.subi %get3A_187, %sub3A_188 : vector<16xi32>
          %lt3A_190 = vector.broadcast %scan3A_78 : i32 to vector<16xi32>
          %lt3A_191 = arith.cmpi ult, %sub3A_189, %lt3A_190 : vector<16xi32>
          tpu.vector_store_idx %arg5[%broadcast_in_dim3A_117, %sub3A_189], %broadcast_in_dim3A_7 masked %lt3A_191 : memref<8x6144xf32, #tpu.memory_space<vmem>>[vector<16xi32>, vector<16xi32>], vector<16xf32>, vector<16xi1>
          %get3A_192 = arith.index_cast %add3A_116 : i32 to index
          %get3A_193 = arith.constant 176 : index
          %get3A_194 = tpu.vector_load %arg4[%get3A_192, %get3A_193] {strides = array<i32>} : memref<32x208xi32, #tpu.memory_space<vmem>>, vector<16xi32>,
          %sub3A_195 = vector.broadcast %mul3A_70 : i32 to vector<16xi32>
          %sub3A_196 = arith.subi %get3A_194, %sub3A_195 : vector<16xi32>
          %lt3A_197 = vector.broadcast %scan3A_78 : i32 to vector<16xi32>
          %lt3A_198 = arith.cmpi ult, %sub3A_196, %lt3A_197 : vector<16xi32>
          tpu.vector_store_idx %arg5[%broadcast_in_dim3A_117, %sub3A_196], %broadcast_in_dim3A_7 masked %lt3A_198 : memref<8x6144xf32, #tpu.memory_space<vmem>>[vector<16xi32>, vector<16xi32>], vector<16xf32>, vector<16xi1>
          %get3A_199 = arith.index_cast %add3A_116 : i32 to index
          %get3A_200 = arith.constant 192 : index
          %get3A_201 = tpu.vector_load %arg4[%get3A_199, %get3A_200] {strides = array<i32>} : memref<32x208xi32, #tpu.memory_space<vmem>>, vector<16xi32>,
          %sub3A_202 = vector.broadcast %mul3A_70 : i32 to vector<16xi32>
          %sub3A_203 = arith.subi %get3A_201, %sub3A_202 : vector<16xi32>
          %lt3A_204 = vector.broadcast %scan3A_78 : i32 to vector<16xi32>
          %lt3A_205 = arith.cmpi ult, %sub3A_203, %lt3A_204 : vector<16xi32>
          tpu.vector_store_idx %arg5[%broadcast_in_dim3A_117, %sub3A_203], %broadcast_in_dim3A_7 masked %lt3A_205 : memref<8x6144xf32, #tpu.memory_space<vmem>>[vector<16xi32>, vector<16xi32>], vector<16xf32>, vector<16xi1>
        }
        %scan3A_83 = arith.constant 8 : i32
        %mul3A_84 = arith.constant 8 : i32
        %mul3A_85 = arith.muli %add3A_43, %mul3A_84 : i32
        %dma_start3A_86 = tpu.memref_slice %arg3[%mul3A_85, %mul3A_70] : memref<1024x100000xf32, #tpu.memory_space<hbm>> -> memref<8x6144xf32, #tpu.memory_space<hbm>>
        %dma_start3A_87 = tpu.memref_slice %arg3[%mul3A_85, %mul3A_70] : memref<1024x100000xf32, #tpu.memory_space<hbm>> -> memref<8x6144xf32, #tpu.memory_space<hbm>>
        tpu.enqueue_dma source(%arg5 : memref<8x6144xf32, #tpu.memory_space<vmem>>) target(%dma_start3A_87 : memref<8x6144xf32, #tpu.memory_space<hbm>>) target_semaphore(%arg8 : memref<!tpu.dma_semaphore, #tpu.memory_space<semaphore_mem>>)
        %mul3A_88 = arith.constant 2 : i32
        %mul3A_89 = arith.muli %mul3A_88, %scan3A_64 : i32
        %add3A_90 = arith.constant 1 : i32
        %add3A_91 = arith.addi %mul3A_89, %add3A_90 : i32
        %mul3A_92 = arith.constant 6144 : i32
        %mul3A_93 = arith.muli %add3A_91, %mul3A_92 : i32
        %ge3A_94 = arith.constant 2 : i32
        %ge3A_95 = arith.cmpi sge, %add3A_91, %ge3A_94 : i32
        %gt3A_96 = arith.constant 0 : i32
        %gt3A_97 = arith.cmpi sgt, %scan3A_42, %gt3A_96 : i32
        %or3A_98 = arith.ori %ge3A_95, %gt3A_97 : i1
        %convert_element_type3A_99 = arith.extui %or3A_98 : i1 to i32
        %cond3A_100 = arith.constant 0 : i32
        %cond3A_101 = arith.cmpi ne, %convert_element_type3A_99, %cond3A_100 : i32
        scf.if %cond3A_101 {
          %ge3A_113 = arith.constant 2 : i32
          %ge3A_114 = arith.cmpi sge, %add3A_91, %ge3A_113 : i32
          %sub3A = arith.constant 2 : i32
          %sub3A_115 = arith.subi %add3A_91, %sub3A : i32
          %add3A_116 = arith.constant 14 : i32
          %add3A_117 = arith.addi %add3A_116, %add3A_91 : i32
          %select_n3A = arith.select %ge3A_114, %sub3A_115, %add3A_117 : i32
          %ge3A_118 = arith.constant 2 : i32
          %ge3A_119 = arith.cmpi sge, %add3A_91, %ge3A_118 : i32
          %sub3A_120 = arith.constant 1 : i32
          %sub3A_121 = arith.subi %scan3A_42, %sub3A_120 : i32
          %select_n3A_122 = arith.select %ge3A_119, %scan3A_42, %sub3A_121 : i32
          %dma_wait3A_123 = arith.constant 0 : i32
          %dma_wait3A_124 = arith.constant 0 : i32
          %dma_wait3A_125 = tpu.memref_slice %arg3[%dma_wait3A_123, %dma_wait3A_124] : memref<1024x100000xf32, #tpu.memory_space<hbm>> -> memref<8x6144xf32, #tpu.memory_space<hbm>>
          %dma_wait3A_126 = arith.constant 0 : i32
          %dma_wait3A_127 = arith.constant 0 : i32
          %dma_wait3A_128 = tpu.memref_slice %arg3[%dma_wait3A_126, %dma_wait3A_127] : memref<1024x100000xf32, #tpu.memory_space<hbm>> -> memref<8x6144xf32, #tpu.memory_space<hbm>>
          tpu.wait_dma2 semaphore(%arg9 : memref<!tpu.dma_semaphore, #tpu.memory_space<semaphore_mem>>) src(%arg6 : memref<8x6144xf32, #tpu.memory_space<vmem>>) dst(%dma_wait3A_128 : memref<8x6144xf32, #tpu.memory_space<hbm>>)
          %mul3A_129 = arith.constant 6144 : i32
          %mul3A_130 = arith.muli %select_n3A, %mul3A_129 : i32
          %scan3A_131 = arith.constant 0 : i32
          %scan3A_132 = arith.constant 6144 : i32
          %scan3A_133 = arith.constant 0 : i32
          %scan3A_134 = arith.constant 8 : i32
          %scan3A_135 = arith.addi %scan3A_133, %scan3A_134 : i32
          %scan3A_136 = arith.constant 1 : i32
          scf.for %scan3A_138 = %scan3A_133 to %scan3A_135 step %scan3A_136  : i32 {
            %mul3A_139 = arith.constant 8 : i32
            %mul3A_140 = arith.muli %select_n3A_122, %mul3A_139 : i32
            %add3A_141 = arith.addi %mul3A_140, %scan3A_138 : i32
            %broadcast_in_dim3A_142 = vector.broadcast %scan3A_138 : i32 to vector<16xi32>
            %get3A = arith.index_cast %add3A_141 : i32 to index
            %get3A_143 = arith.constant 0 : index
            %get3A_144 = tpu.vector_load %arg4[%get3A, %get3A_143] {strides = array<i32>} : memref<32x208xi32, #tpu.memory_space<vmem>>, vector<16xi32>,
            %sub3A_145 = vector.broadcast %mul3A_130 : i32 to vector<16xi32>
            %sub3A_146 = arith.subi %get3A_144, %sub3A_145 : vector<16xi32>
            %lt3A = vector.broadcast %scan3A_132 : i32 to vector<16xi32>
            %lt3A_147 = arith.cmpi ult, %sub3A_146, %lt3A : vector<16xi32>
            tpu.vector_store_idx %arg6[%broadcast_in_dim3A_142, %sub3A_146], %broadcast_in_dim3A_5 masked %lt3A_147 : memref<8x6144xf32, #tpu.memory_space<vmem>>[vector<16xi32>, vector<16xi32>], vector<16xf32>, vector<16xi1>
            %get3A_148 = arith.index_cast %add3A_141 : i32 to index
            %get3A_149 = arith.constant 16 : index
            %get3A_150 = tpu.vector_load %arg4[%get3A_148, %get3A_149] {strides = array<i32>} : memref<32x208xi32, #tpu.memory_space<vmem>>, vector<16xi32>,
            %sub3A_151 = vector.broadcast %mul3A_130 : i32 to vector<16xi32>
            %sub3A_152 = arith.subi %get3A_150, %sub3A_151 : vector<16xi32>
            %lt3A_153 = vector.broadcast %scan3A_132 : i32 to vector<16xi32>
            %lt3A_154 = arith.cmpi ult, %sub3A_152, %lt3A_153 : vector<16xi32>
            tpu.vector_store_idx %arg6[%broadcast_in_dim3A_142, %sub3A_152], %broadcast_in_dim3A_5 masked %lt3A_154 : memref<8x6144xf32, #tpu.memory_space<vmem>>[vector<16xi32>, vector<16xi32>], vector<16xf32>, vector<16xi1>
            %get3A_155 = arith.index_cast %add3A_141 : i32 to index
            %get3A_156 = arith.constant 32 : index
            %get3A_157 = tpu.vector_load %arg4[%get3A_155, %get3A_156] {strides = array<i32>} : memref<32x208xi32, #tpu.memory_space<vmem>>, vector<16xi32>,
            %sub3A_158 = vector.broadcast %mul3A_130 : i32 to vector<16xi32>
            %sub3A_159 = arith.subi %get3A_157, %sub3A_158 : vector<16xi32>
            %lt3A_160 = vector.broadcast %scan3A_132 : i32 to vector<16xi32>
            %lt3A_161 = arith.cmpi ult, %sub3A_159, %lt3A_160 : vector<16xi32>
            tpu.vector_store_idx %arg6[%broadcast_in_dim3A_142, %sub3A_159], %broadcast_in_dim3A_5 masked %lt3A_161 : memref<8x6144xf32, #tpu.memory_space<vmem>>[vector<16xi32>, vector<16xi32>], vector<16xf32>, vector<16xi1>
            %get3A_162 = arith.index_cast %add3A_141 : i32 to index
            %get3A_163 = arith.constant 48 : index
            %get3A_164 = tpu.vector_load %arg4[%get3A_162, %get3A_163] {strides = array<i32>} : memref<32x208xi32, #tpu.memory_space<vmem>>, vector<16xi32>,
            %sub3A_165 = vector.broadcast %mul3A_130 : i32 to vector<16xi32>
            %sub3A_166 = arith.subi %get3A_164, %sub3A_165 : vector<16xi32>
            %lt3A_167 = vector.broadcast %scan3A_132 : i32 to vector<16xi32>
            %lt3A_168 = arith.cmpi ult, %sub3A_166, %lt3A_167 : vector<16xi32>
            tpu.vector_store_idx %arg6[%broadcast_in_dim3A_142, %sub3A_166], %broadcast_in_dim3A_5 masked %lt3A_168 : memref<8x6144xf32, #tpu.memory_space<vmem>>[vector<16xi32>, vector<16xi32>], vector<16xf32>, vector<16xi1>
            %get3A_169 = arith.index_cast %add3A_141 : i32 to index
            %get3A_170 = arith.constant 64 : index
            %get3A_171 = tpu.vector_load %arg4[%get3A_169, %get3A_170] {strides = array<i32>} : memref<32x208xi32, #tpu.memory_space<vmem>>, vector<16xi32>,
            %sub3A_172 = vector.broadcast %mul3A_130 : i32 to vector<16xi32>
            %sub3A_173 = arith.subi %get3A_171, %sub3A_172 : vector<16xi32>
            %lt3A_174 = vector.broadcast %scan3A_132 : i32 to vector<16xi32>
            %lt3A_175 = arith.cmpi ult, %sub3A_173, %lt3A_174 : vector<16xi32>
            tpu.vector_store_idx %arg6[%broadcast_in_dim3A_142, %sub3A_173], %broadcast_in_dim3A_5 masked %lt3A_175 : memref<8x6144xf32, #tpu.memory_space<vmem>>[vector<16xi32>, vector<16xi32>], vector<16xf32>, vector<16xi1>
            %get3A_176 = arith.index_cast %add3A_141 : i32 to index
            %get3A_177 = arith.constant 80 : index
            %get3A_178 = tpu.vector_load %arg4[%get3A_176, %get3A_177] {strides = array<i32>} : memref<32x208xi32, #tpu.memory_space<vmem>>, vector<16xi32>,
            %sub3A_179 = vector.broadcast %mul3A_130 : i32 to vector<16xi32>
            %sub3A_180 = arith.subi %get3A_178, %sub3A_179 : vector<16xi32>
            %lt3A_181 = vector.broadcast %scan3A_132 : i32 to vector<16xi32>
            %lt3A_182 = arith.cmpi ult, %sub3A_180, %lt3A_181 : vector<16xi32>
            tpu.vector_store_idx %arg6[%broadcast_in_dim3A_142, %sub3A_180], %broadcast_in_dim3A_5 masked %lt3A_182 : memref<8x6144xf32, #tpu.memory_space<vmem>>[vector<16xi32>, vector<16xi32>], vector<16xf32>, vector<16xi1>
            %get3A_183 = arith.index_cast %add3A_141 : i32 to index
            %get3A_184 = arith.constant 96 : index
            %get3A_185 = tpu.vector_load %arg4[%get3A_183, %get3A_184] {strides = array<i32>} : memref<32x208xi32, #tpu.memory_space<vmem>>, vector<16xi32>,
            %sub3A_186 = vector.broadcast %mul3A_130 : i32 to vector<16xi32>
            %sub3A_187 = arith.subi %get3A_185, %sub3A_186 : vector<16xi32>
            %lt3A_188 = vector.broadcast %scan3A_132 : i32 to vector<16xi32>
            %lt3A_189 = arith.cmpi ult, %sub3A_187, %lt3A_188 : vector<16xi32>
            tpu.vector_store_idx %arg6[%broadcast_in_dim3A_142, %sub3A_187], %broadcast_in_dim3A_5 masked %lt3A_189 : memref<8x6144xf32, #tpu.memory_space<vmem>>[vector<16xi32>, vector<16xi32>], vector<16xf32>, vector<16xi1>
            %get3A_190 = arith.index_cast %add3A_141 : i32 to index
            %get3A_191 = arith.constant 112 : index
            %get3A_192 = tpu.vector_load %arg4[%get3A_190, %get3A_191] {strides = array<i32>} : memref<32x208xi32, #tpu.memory_space<vmem>>, vector<16xi32>,
            %sub3A_193 = vector.broadcast %mul3A_130 : i32 to vector<16xi32>
            %sub3A_194 = arith.subi %get3A_192, %sub3A_193 : vector<16xi32>
            %lt3A_195 = vector.broadcast %scan3A_132 : i32 to vector<16xi32>
            %lt3A_196 = arith.cmpi ult, %sub3A_194, %lt3A_195 : vector<16xi32>
            tpu.vector_store_idx %arg6[%broadcast_in_dim3A_142, %sub3A_194], %broadcast_in_dim3A_5 masked %lt3A_196 : memref<8x6144xf32, #tpu.memory_space<vmem>>[vector<16xi32>, vector<16xi32>], vector<16xf32>, vector<16xi1>
            %get3A_197 = arith.index_cast %add3A_141 : i32 to index
            %get3A_198 = arith.constant 128 : index
            %get3A_199 = tpu.vector_load %arg4[%get3A_197, %get3A_198] {strides = array<i32>} : memref<32x208xi32, #tpu.memory_space<vmem>>, vector<16xi32>,
            %sub3A_200 = vector.broadcast %mul3A_130 : i32 to vector<16xi32>
            %sub3A_201 = arith.subi %get3A_199, %sub3A_200 : vector<16xi32>
            %lt3A_202 = vector.broadcast %scan3A_132 : i32 to vector<16xi32>
            %lt3A_203 = arith.cmpi ult, %sub3A_201, %lt3A_202 : vector<16xi32>
            tpu.vector_store_idx %arg6[%broadcast_in_dim3A_142, %sub3A_201], %broadcast_in_dim3A_5 masked %lt3A_203 : memref<8x6144xf32, #tpu.memory_space<vmem>>[vector<16xi32>, vector<16xi32>], vector<16xf32>, vector<16xi1>
            %get3A_204 = arith.index_cast %add3A_141 : i32 to index
            %get3A_205 = arith.constant 144 : index
            %get3A_206 = tpu.vector_load %arg4[%get3A_204, %get3A_205] {strides = array<i32>} : memref<32x208xi32, #tpu.memory_space<vmem>>, vector<16xi32>,
            %sub3A_207 = vector.broadcast %mul3A_130 : i32 to vector<16xi32>
            %sub3A_208 = arith.subi %get3A_206, %sub3A_207 : vector<16xi32>
            %lt3A_209 = vector.broadcast %scan3A_132 : i32 to vector<16xi32>
            %lt3A_210 = arith.cmpi ult, %sub3A_208, %lt3A_209 : vector<16xi32>
            tpu.vector_store_idx %arg6[%broadcast_in_dim3A_142, %sub3A_208], %broadcast_in_dim3A_5 masked %lt3A_210 : memref<8x6144xf32, #tpu.memory_space<vmem>>[vector<16xi32>, vector<16xi32>], vector<16xf32>, vector<16xi1>
            %get3A_211 = arith.index_cast %add3A_141 : i32 to index
            %get3A_212 = arith.constant 160 : index
            %get3A_213 = tpu.vector_load %arg4[%get3A_211, %get3A_212] {strides = array<i32>} : memref<32x208xi32, #tpu.memory_space<vmem>>, vector<16xi32>,
            %sub3A_214 = vector.broadcast %mul3A_130 : i32 to vector<16xi32>
            %sub3A_215 = arith.subi %get3A_213, %sub3A_214 : vector<16xi32>
            %lt3A_216 = vector.broadcast %scan3A_132 : i32 to vector<16xi32>
            %lt3A_217 = arith.cmpi ult, %sub3A_215, %lt3A_216 : vector<16xi32>
            tpu.vector_store_idx %arg6[%broadcast_in_dim3A_142, %sub3A_215], %broadcast_in_dim3A_5 masked %lt3A_217 : memref<8x6144xf32, #tpu.memory_space<vmem>>[vector<16xi32>, vector<16xi32>], vector<16xf32>, vector<16xi1>
            %get3A_218 = arith.index_cast %add3A_141 : i32 to index
            %get3A_219 = arith.constant 176 : index
            %get3A_220 = tpu.vector_load %arg4[%get3A_218, %get3A_219] {strides = array<i32>} : memref<32x208xi32, #tpu.memory_space<vmem>>, vector<16xi32>,
            %sub3A_221 = vector.broadcast %mul3A_130 : i32 to vector<16xi32>
            %sub3A_222 = arith.subi %get3A_220, %sub3A_221 : vector<16xi32>
            %lt3A_223 = vector.broadcast %scan3A_132 : i32 to vector<16xi32>
            %lt3A_224 = arith.cmpi ult, %sub3A_222, %lt3A_223 : vector<16xi32>
            tpu.vector_store_idx %arg6[%broadcast_in_dim3A_142, %sub3A_222], %broadcast_in_dim3A_5 masked %lt3A_224 : memref<8x6144xf32, #tpu.memory_space<vmem>>[vector<16xi32>, vector<16xi32>], vector<16xf32>, vector<16xi1>
            %get3A_225 = arith.index_cast %add3A_141 : i32 to index
            %get3A_226 = arith.constant 192 : index
            %get3A_227 = tpu.vector_load %arg4[%get3A_225, %get3A_226] {strides = array<i32>} : memref<32x208xi32, #tpu.memory_space<vmem>>, vector<16xi32>,
            %sub3A_228 = vector.broadcast %mul3A_130 : i32 to vector<16xi32>
            %sub3A_229 = arith.subi %get3A_227, %sub3A_228 : vector<16xi32>
            %lt3A_230 = vector.broadcast %scan3A_132 : i32 to vector<16xi32>
            %lt3A_231 = arith.cmpi ult, %sub3A_229, %lt3A_230 : vector<16xi32>
            tpu.vector_store_idx %arg6[%broadcast_in_dim3A_142, %sub3A_229], %broadcast_in_dim3A_5 masked %lt3A_231 : memref<8x6144xf32, #tpu.memory_space<vmem>>[vector<16xi32>, vector<16xi32>], vector<16xf32>, vector<16xi1>
          }
          %scan3A_137 = arith.constant 8 : i32
        } else {
        }
        %scan3A_102 = arith.constant 0 : i32
        %scan3A_103 = arith.constant 6144 : i32
        %scan3A_104 = arith.constant 0 : i32
        %scan3A_105 = arith.constant 8 : i32
        %scan3A_106 = arith.addi %scan3A_104, %scan3A_105 : i32
        %scan3A_107 = arith.constant 1 : i32
        scf.for %scan3A_113 = %scan3A_104 to %scan3A_106 step %scan3A_107  : i32 {
          %mul3A_114 = arith.constant 8 : i32
          %mul3A_115 = arith.muli %scan3A_42, %mul3A_114 : i32
          %add3A_116 = arith.addi %mul3A_115, %scan3A_113 : i32
          %broadcast_in_dim3A_117 = vector.broadcast %scan3A_113 : i32 to vector<16xi32>
          %get3A = arith.index_cast %add3A_116 : i32 to index
          %get3A_118 = arith.constant 0 : index
          %get3A_119 = tpu.vector_load %arg4[%get3A, %get3A_118] {strides = array<i32>} : memref<32x208xi32, #tpu.memory_space<vmem>>, vector<16xi32>,
          %sub3A = vector.broadcast %mul3A_93 : i32 to vector<16xi32>
          %sub3A_120 = arith.subi %get3A_119, %sub3A : vector<16xi32>
          %lt3A = vector.broadcast %scan3A_103 : i32 to vector<16xi32>
          %lt3A_121 = arith.cmpi ult, %sub3A_120, %lt3A : vector<16xi32>
          tpu.vector_store_idx %arg6[%broadcast_in_dim3A_117, %sub3A_120], %broadcast_in_dim3A_7 masked %lt3A_121 : memref<8x6144xf32, #tpu.memory_space<vmem>>[vector<16xi32>, vector<16xi32>], vector<16xf32>, vector<16xi1>
          %get3A_122 = arith.index_cast %add3A_116 : i32 to index
          %get3A_123 = arith.constant 16 : index
          %get3A_124 = tpu.vector_load %arg4[%get3A_122, %get3A_123] {strides = array<i32>} : memref<32x208xi32, #tpu.memory_space<vmem>>, vector<16xi32>,
          %sub3A_125 = vector.broadcast %mul3A_93 : i32 to vector<16xi32>
          %sub3A_126 = arith.subi %get3A_124, %sub3A_125 : vector<16xi32>
          %lt3A_127 = vector.broadcast %scan3A_103 : i32 to vector<16xi32>
          %lt3A_128 = arith.cmpi ult, %sub3A_126, %lt3A_127 : vector<16xi32>
          tpu.vector_store_idx %arg6[%broadcast_in_dim3A_117, %sub3A_126], %broadcast_in_dim3A_7 masked %lt3A_128 : memref<8x6144xf32, #tpu.memory_space<vmem>>[vector<16xi32>, vector<16xi32>], vector<16xf32>, vector<16xi1>
          %get3A_129 = arith.index_cast %add3A_116 : i32 to index
          %get3A_130 = arith.constant 32 : index
          %get3A_131 = tpu.vector_load %arg4[%get3A_129, %get3A_130] {strides = array<i32>} : memref<32x208xi32, #tpu.memory_space<vmem>>, vector<16xi32>,
          %sub3A_132 = vector.broadcast %mul3A_93 : i32 to vector<16xi32>
          %sub3A_133 = arith.subi %get3A_131, %sub3A_132 : vector<16xi32>
          %lt3A_134 = vector.broadcast %scan3A_103 : i32 to vector<16xi32>
          %lt3A_135 = arith.cmpi ult, %sub3A_133, %lt3A_134 : vector<16xi32>
          tpu.vector_store_idx %arg6[%broadcast_in_dim3A_117, %sub3A_133], %broadcast_in_dim3A_7 masked %lt3A_135 : memref<8x6144xf32, #tpu.memory_space<vmem>>[vector<16xi32>, vector<16xi32>], vector<16xf32>, vector<16xi1>
          %get3A_136 = arith.index_cast %add3A_116 : i32 to index
          %get3A_137 = arith.constant 48 : index
          %get3A_138 = tpu.vector_load %arg4[%get3A_136, %get3A_137] {strides = array<i32>} : memref<32x208xi32, #tpu.memory_space<vmem>>, vector<16xi32>,
          %sub3A_139 = vector.broadcast %mul3A_93 : i32 to vector<16xi32>
          %sub3A_140 = arith.subi %get3A_138, %sub3A_139 : vector<16xi32>
          %lt3A_141 = vector.broadcast %scan3A_103 : i32 to vector<16xi32>
          %lt3A_142 = arith.cmpi ult, %sub3A_140, %lt3A_141 : vector<16xi32>
          tpu.vector_store_idx %arg6[%broadcast_in_dim3A_117, %sub3A_140], %broadcast_in_dim3A_7 masked %lt3A_142 : memref<8x6144xf32, #tpu.memory_space<vmem>>[vector<16xi32>, vector<16xi32>], vector<16xf32>, vector<16xi1>
          %get3A_143 = arith.index_cast %add3A_116 : i32 to index
          %get3A_144 = arith.constant 64 : index
          %get3A_145 = tpu.vector_load %arg4[%get3A_143, %get3A_144] {strides = array<i32>} : memref<32x208xi32, #tpu.memory_space<vmem>>, vector<16xi32>,
          %sub3A_146 = vector.broadcast %mul3A_93 : i32 to vector<16xi32>
          %sub3A_147 = arith.subi %get3A_145, %sub3A_146 : vector<16xi32>
          %lt3A_148 = vector.broadcast %scan3A_103 : i32 to vector<16xi32>
          %lt3A_149 = arith.cmpi ult, %sub3A_147, %lt3A_148 : vector<16xi32>
          tpu.vector_store_idx %arg6[%broadcast_in_dim3A_117, %sub3A_147], %broadcast_in_dim3A_7 masked %lt3A_149 : memref<8x6144xf32, #tpu.memory_space<vmem>>[vector<16xi32>, vector<16xi32>], vector<16xf32>, vector<16xi1>
          %get3A_150 = arith.index_cast %add3A_116 : i32 to index
          %get3A_151 = arith.constant 80 : index
          %get3A_152 = tpu.vector_load %arg4[%get3A_150, %get3A_151] {strides = array<i32>} : memref<32x208xi32, #tpu.memory_space<vmem>>, vector<16xi32>,
          %sub3A_153 = vector.broadcast %mul3A_93 : i32 to vector<16xi32>
          %sub3A_154 = arith.subi %get3A_152, %sub3A_153 : vector<16xi32>
          %lt3A_155 = vector.broadcast %scan3A_103 : i32 to vector<16xi32>
          %lt3A_156 = arith.cmpi ult, %sub3A_154, %lt3A_155 : vector<16xi32>
          tpu.vector_store_idx %arg6[%broadcast_in_dim3A_117, %sub3A_154], %broadcast_in_dim3A_7 masked %lt3A_156 : memref<8x6144xf32, #tpu.memory_space<vmem>>[vector<16xi32>, vector<16xi32>], vector<16xf32>, vector<16xi1>
          %get3A_157 = arith.index_cast %add3A_116 : i32 to index
          %get3A_158 = arith.constant 96 : index
          %get3A_159 = tpu.vector_load %arg4[%get3A_157, %get3A_158] {strides = array<i32>} : memref<32x208xi32, #tpu.memory_space<vmem>>, vector<16xi32>,
          %sub3A_160 = vector.broadcast %mul3A_93 : i32 to vector<16xi32>
          %sub3A_161 = arith.subi %get3A_159, %sub3A_160 : vector<16xi32>
          %lt3A_162 = vector.broadcast %scan3A_103 : i32 to vector<16xi32>
          %lt3A_163 = arith.cmpi ult, %sub3A_161, %lt3A_162 : vector<16xi32>
          tpu.vector_store_idx %arg6[%broadcast_in_dim3A_117, %sub3A_161], %broadcast_in_dim3A_7 masked %lt3A_163 : memref<8x6144xf32, #tpu.memory_space<vmem>>[vector<16xi32>, vector<16xi32>], vector<16xf32>, vector<16xi1>
          %get3A_164 = arith.index_cast %add3A_116 : i32 to index
          %get3A_165 = arith.constant 112 : index
          %get3A_166 = tpu.vector_load %arg4[%get3A_164, %get3A_165] {strides = array<i32>} : memref<32x208xi32, #tpu.memory_space<vmem>>, vector<16xi32>,
          %sub3A_167 = vector.broadcast %mul3A_93 : i32 to vector<16xi32>
          %sub3A_168 = arith.subi %get3A_166, %sub3A_167 : vector<16xi32>
          %lt3A_169 = vector.broadcast %scan3A_103 : i32 to vector<16xi32>
          %lt3A_170 = arith.cmpi ult, %sub3A_168, %lt3A_169 : vector<16xi32>
          tpu.vector_store_idx %arg6[%broadcast_in_dim3A_117, %sub3A_168], %broadcast_in_dim3A_7 masked %lt3A_170 : memref<8x6144xf32, #tpu.memory_space<vmem>>[vector<16xi32>, vector<16xi32>], vector<16xf32>, vector<16xi1>
          %get3A_171 = arith.index_cast %add3A_116 : i32 to index
          %get3A_172 = arith.constant 128 : index
          %get3A_173 = tpu.vector_load %arg4[%get3A_171, %get3A_172] {strides = array<i32>} : memref<32x208xi32, #tpu.memory_space<vmem>>, vector<16xi32>,
          %sub3A_174 = vector.broadcast %mul3A_93 : i32 to vector<16xi32>
          %sub3A_175 = arith.subi %get3A_173, %sub3A_174 : vector<16xi32>
          %lt3A_176 = vector.broadcast %scan3A_103 : i32 to vector<16xi32>
          %lt3A_177 = arith.cmpi ult, %sub3A_175, %lt3A_176 : vector<16xi32>
          tpu.vector_store_idx %arg6[%broadcast_in_dim3A_117, %sub3A_175], %broadcast_in_dim3A_7 masked %lt3A_177 : memref<8x6144xf32, #tpu.memory_space<vmem>>[vector<16xi32>, vector<16xi32>], vector<16xf32>, vector<16xi1>
          %get3A_178 = arith.index_cast %add3A_116 : i32 to index
          %get3A_179 = arith.constant 144 : index
          %get3A_180 = tpu.vector_load %arg4[%get3A_178, %get3A_179] {strides = array<i32>} : memref<32x208xi32, #tpu.memory_space<vmem>>, vector<16xi32>,
          %sub3A_181 = vector.broadcast %mul3A_93 : i32 to vector<16xi32>
          %sub3A_182 = arith.subi %get3A_180, %sub3A_181 : vector<16xi32>
          %lt3A_183 = vector.broadcast %scan3A_103 : i32 to vector<16xi32>
          %lt3A_184 = arith.cmpi ult, %sub3A_182, %lt3A_183 : vector<16xi32>
          tpu.vector_store_idx %arg6[%broadcast_in_dim3A_117, %sub3A_182], %broadcast_in_dim3A_7 masked %lt3A_184 : memref<8x6144xf32, #tpu.memory_space<vmem>>[vector<16xi32>, vector<16xi32>], vector<16xf32>, vector<16xi1>
          %get3A_185 = arith.index_cast %add3A_116 : i32 to index
          %get3A_186 = arith.constant 160 : index
          %get3A_187 = tpu.vector_load %arg4[%get3A_185, %get3A_186] {strides = array<i32>} : memref<32x208xi32, #tpu.memory_space<vmem>>, vector<16xi32>,
          %sub3A_188 = vector.broadcast %mul3A_93 : i32 to vector<16xi32>
          %sub3A_189 = arith.subi %get3A_187, %sub3A_188 : vector<16xi32>
          %lt3A_190 = vector.broadcast %scan3A_103 : i32 to vector<16xi32>
          %lt3A_191 = arith.cmpi ult, %sub3A_189, %lt3A_190 : vector<16xi32>
          tpu.vector_store_idx %arg6[%broadcast_in_dim3A_117, %sub3A_189], %broadcast_in_dim3A_7 masked %lt3A_191 : memref<8x6144xf32, #tpu.memory_space<vmem>>[vector<16xi32>, vector<16xi32>], vector<16xf32>, vector<16xi1>
          %get3A_192 = arith.index_cast %add3A_116 : i32 to index
          %get3A_193 = arith.constant 176 : index
          %get3A_194 = tpu.vector_load %arg4[%get3A_192, %get3A_193] {strides = array<i32>} : memref<32x208xi32, #tpu.memory_space<vmem>>, vector<16xi32>,
          %sub3A_195 = vector.broadcast %mul3A_93 : i32 to vector<16xi32>
          %sub3A_196 = arith.subi %get3A_194, %sub3A_195 : vector<16xi32>
          %lt3A_197 = vector.broadcast %scan3A_103 : i32 to vector<16xi32>
          %lt3A_198 = arith.cmpi ult, %sub3A_196, %lt3A_197 : vector<16xi32>
          tpu.vector_store_idx %arg6[%broadcast_in_dim3A_117, %sub3A_196], %broadcast_in_dim3A_7 masked %lt3A_198 : memref<8x6144xf32, #tpu.memory_space<vmem>>[vector<16xi32>, vector<16xi32>], vector<16xf32>, vector<16xi1>
          %get3A_199 = arith.index_cast %add3A_116 : i32 to index
          %get3A_200 = arith.constant 192 : index
          %get3A_201 = tpu.vector_load %arg4[%get3A_199, %get3A_200] {strides = array<i32>} : memref<32x208xi32, #tpu.memory_space<vmem>>, vector<16xi32>,
          %sub3A_202 = vector.broadcast %mul3A_93 : i32 to vector<16xi32>
          %sub3A_203 = arith.subi %get3A_201, %sub3A_202 : vector<16xi32>
          %lt3A_204 = vector.broadcast %scan3A_103 : i32 to vector<16xi32>
          %lt3A_205 = arith.cmpi ult, %sub3A_203, %lt3A_204 : vector<16xi32>
          tpu.vector_store_idx %arg6[%broadcast_in_dim3A_117, %sub3A_203], %broadcast_in_dim3A_7 masked %lt3A_205 : memref<8x6144xf32, #tpu.memory_space<vmem>>[vector<16xi32>, vector<16xi32>], vector<16xf32>, vector<16xi1>
        }
        %scan3A_108 = arith.constant 8 : i32
        %mul3A_109 = arith.constant 8 : i32
        %mul3A_110 = arith.muli %add3A_43, %mul3A_109 : i32
        %dma_start3A_111 = tpu.memref_slice %arg3[%mul3A_110, %mul3A_93] : memref<1024x100000xf32, #tpu.memory_space<hbm>> -> memref<8x6144xf32, #tpu.memory_space<hbm>>
        %dma_start3A_112 = tpu.memref_slice %arg3[%mul3A_110, %mul3A_93] : memref<1024x100000xf32, #tpu.memory_space<hbm>> -> memref<8x6144xf32, #tpu.memory_space<hbm>>
        tpu.enqueue_dma source(%arg6 : memref<8x6144xf32, #tpu.memory_space<vmem>>) target(%dma_start3A_112 : memref<8x6144xf32, #tpu.memory_space<hbm>>) target_semaphore(%arg9 : memref<!tpu.dma_semaphore, #tpu.memory_space<semaphore_mem>>)
      }
      %scan3A_49 = arith.constant 8 : i32
      %gt3A = arith.constant 0 : i32
      %gt3A_50 = arith.cmpi sgt, %scan3A_42, %gt3A : i32
      %convert_element_type3A = arith.extui %gt3A_50 : i1 to i32
      %cond3A = arith.constant 0 : i32
      %cond3A_51 = arith.cmpi ne, %convert_element_type3A, %cond3A : i32
      scf.if %cond3A_51 {
        %dma_wait3A_64 = arith.constant 0 : i32
        %dma_wait3A_65 = arith.constant 98304 : i32
        %dma_wait3A_66 = tpu.memref_slice %arg3[%dma_wait3A_64, %dma_wait3A_65] : memref<1024x100000xf32, #tpu.memory_space<hbm>> -> memref<8x1696xf32, #tpu.memory_space<hbm>>
        %dma_wait3A_67 = arith.constant 0 : i32
        %dma_wait3A_68 = arith.constant 98304 : i32
        %dma_wait3A_69 = tpu.memref_slice %arg3[%dma_wait3A_67, %dma_wait3A_68] : memref<1024x100000xf32, #tpu.memory_space<hbm>> -> memref<8x1696xf32, #tpu.memory_space<hbm>>
        tpu.wait_dma2 semaphore(%arg10 : memref<!tpu.dma_semaphore, #tpu.memory_space<semaphore_mem>>) src(%arg7 : memref<8x1696xf32, #tpu.memory_space<vmem>>) dst(%dma_wait3A_69 : memref<8x1696xf32, #tpu.memory_space<hbm>>)
        %sub3A = arith.constant 1 : i32
        %sub3A_70 = arith.subi %scan3A_42, %sub3A : i32
        %scan3A_71 = arith.constant 0 : i32
        %scan3A_72 = arith.constant 1696 : i32
        %scan3A_73 = arith.constant 0 : i32
        %scan3A_74 = arith.constant 8 : i32
        %scan3A_75 = arith.addi %scan3A_73, %scan3A_74 : i32
        %scan3A_76 = arith.constant 1 : i32
        scf.for %scan3A_78 = %scan3A_73 to %scan3A_75 step %scan3A_76  : i32 {
          %mul3A_79 = arith.constant 8 : i32
          %mul3A_80 = arith.muli %sub3A_70, %mul3A_79 : i32
          %add3A_81 = arith.addi %mul3A_80, %scan3A_78 : i32
          %broadcast_in_dim3A_82 = vector.broadcast %scan3A_78 : i32 to vector<16xi32>
          %get3A = arith.index_cast %add3A_81 : i32 to index
          %get3A_83 = arith.constant 0 : index
          %get3A_84 = tpu.vector_load %arg4[%get3A, %get3A_83] {strides = array<i32>} : memref<32x208xi32, #tpu.memory_space<vmem>>, vector<16xi32>,
          %sub3A_85 = arith.constant 98304 : i32
          %sub3A_86 = vector.broadcast %sub3A_85 : i32 to vector<16xi32>
          %sub3A_87 = arith.subi %get3A_84, %sub3A_86 : vector<16xi32>
          %lt3A = vector.broadcast %scan3A_72 : i32 to vector<16xi32>
          %lt3A_88 = arith.cmpi ult, %sub3A_87, %lt3A : vector<16xi32>
          tpu.vector_store_idx %arg7[%broadcast_in_dim3A_82, %sub3A_87], %broadcast_in_dim3A_5 masked %lt3A_88 : memref<8x1696xf32, #tpu.memory_space<vmem>>[vector<16xi32>, vector<16xi32>], vector<16xf32>, vector<16xi1>
          %get3A_89 = arith.index_cast %add3A_81 : i32 to index
          %get3A_90 = arith.constant 16 : index
          %get3A_91 = tpu.vector_load %arg4[%get3A_89, %get3A_90] {strides = array<i32>} : memref<32x208xi32, #tpu.memory_space<vmem>>, vector<16xi32>,
          %sub3A_92 = arith.constant 98304 : i32
          %sub3A_93 = vector.broadcast %sub3A_92 : i32 to vector<16xi32>
          %sub3A_94 = arith.subi %get3A_91, %sub3A_93 : vector<16xi32>
          %lt3A_95 = vector.broadcast %scan3A_72 : i32 to vector<16xi32>
          %lt3A_96 = arith.cmpi ult, %sub3A_94, %lt3A_95 : vector<16xi32>
          tpu.vector_store_idx %arg7[%broadcast_in_dim3A_82, %sub3A_94], %broadcast_in_dim3A_5 masked %lt3A_96 : memref<8x1696xf32, #tpu.memory_space<vmem>>[vector<16xi32>, vector<16xi32>], vector<16xf32>, vector<16xi1>
          %get3A_97 = arith.index_cast %add3A_81 : i32 to index
          %get3A_98 = arith.constant 32 : index
          %get3A_99 = tpu.vector_load %arg4[%get3A_97, %get3A_98] {strides = array<i32>} : memref<32x208xi32, #tpu.memory_space<vmem>>, vector<16xi32>,
          %sub3A_100 = arith.constant 98304 : i32
          %sub3A_101 = vector.broadcast %sub3A_100 : i32 to vector<16xi32>
          %sub3A_102 = arith.subi %get3A_99, %sub3A_101 : vector<16xi32>
          %lt3A_103 = vector.broadcast %scan3A_72 : i32 to vector<16xi32>
          %lt3A_104 = arith.cmpi ult, %sub3A_102, %lt3A_103 : vector<16xi32>
          tpu.vector_store_idx %arg7[%broadcast_in_dim3A_82, %sub3A_102], %broadcast_in_dim3A_5 masked %lt3A_104 : memref<8x1696xf32, #tpu.memory_space<vmem>>[vector<16xi32>, vector<16xi32>], vector<16xf32>, vector<16xi1>
          %get3A_105 = arith.index_cast %add3A_81 : i32 to index
          %get3A_106 = arith.constant 48 : index
          %get3A_107 = tpu.vector_load %arg4[%get3A_105, %get3A_106] {strides = array<i32>} : memref<32x208xi32, #tpu.memory_space<vmem>>, vector<16xi32>,
          %sub3A_108 = arith.constant 98304 : i32
          %sub3A_109 = vector.broadcast %sub3A_108 : i32 to vector<16xi32>
          %sub3A_110 = arith.subi %get3A_107, %sub3A_109 : vector<16xi32>
          %lt3A_111 = vector.broadcast %scan3A_72 : i32 to vector<16xi32>
          %lt3A_112 = arith.cmpi ult, %sub3A_110, %lt3A_111 : vector<16xi32>
          tpu.vector_store_idx %arg7[%broadcast_in_dim3A_82, %sub3A_110], %broadcast_in_dim3A_5 masked %lt3A_112 : memref<8x1696xf32, #tpu.memory_space<vmem>>[vector<16xi32>, vector<16xi32>], vector<16xf32>, vector<16xi1>
          %get3A_113 = arith.index_cast %add3A_81 : i32 to index
          %get3A_114 = arith.constant 64 : index
          %get3A_115 = tpu.vector_load %arg4[%get3A_113, %get3A_114] {strides = array<i32>} : memref<32x208xi32, #tpu.memory_space<vmem>>, vector<16xi32>,
          %sub3A_116 = arith.constant 98304 : i32
          %sub3A_117 = vector.broadcast %sub3A_116 : i32 to vector<16xi32>
          %sub3A_118 = arith.subi %get3A_115, %sub3A_117 : vector<16xi32>
          %lt3A_119 = vector.broadcast %scan3A_72 : i32 to vector<16xi32>
          %lt3A_120 = arith.cmpi ult, %sub3A_118, %lt3A_119 : vector<16xi32>
          tpu.vector_store_idx %arg7[%broadcast_in_dim3A_82, %sub3A_118], %broadcast_in_dim3A_5 masked %lt3A_120 : memref<8x1696xf32, #tpu.memory_space<vmem>>[vector<16xi32>, vector<16xi32>], vector<16xf32>, vector<16xi1>
          %get3A_121 = arith.index_cast %add3A_81 : i32 to index
          %get3A_122 = arith.constant 80 : index
          %get3A_123 = tpu.vector_load %arg4[%get3A_121, %get3A_122] {strides = array<i32>} : memref<32x208xi32, #tpu.memory_space<vmem>>, vector<16xi32>,
          %sub3A_124 = arith.constant 98304 : i32
          %sub3A_125 = vector.broadcast %sub3A_124 : i32 to vector<16xi32>
          %sub3A_126 = arith.subi %get3A_123, %sub3A_125 : vector<16xi32>
          %lt3A_127 = vector.broadcast %scan3A_72 : i32 to vector<16xi32>
          %lt3A_128 = arith.cmpi ult, %sub3A_126, %lt3A_127 : vector<16xi32>
          tpu.vector_store_idx %arg7[%broadcast_in_dim3A_82, %sub3A_126], %broadcast_in_dim3A_5 masked %lt3A_128 : memref<8x1696xf32, #tpu.memory_space<vmem>>[vector<16xi32>, vector<16xi32>], vector<16xf32>, vector<16xi1>
          %get3A_129 = arith.index_cast %add3A_81 : i32 to index
          %get3A_130 = arith.constant 96 : index
          %get3A_131 = tpu.vector_load %arg4[%get3A_129, %get3A_130] {strides = array<i32>} : memref<32x208xi32, #tpu.memory_space<vmem>>, vector<16xi32>,
          %sub3A_132 = arith.constant 98304 : i32
          %sub3A_133 = vector.broadcast %sub3A_132 : i32 to vector<16xi32>
          %sub3A_134 = arith.subi %get3A_131, %sub3A_133 : vector<16xi32>
          %lt3A_135 = vector.broadcast %scan3A_72 : i32 to vector<16xi32>
          %lt3A_136 = arith.cmpi ult, %sub3A_134, %lt3A_135 : vector<16xi32>
          tpu.vector_store_idx %arg7[%broadcast_in_dim3A_82, %sub3A_134], %broadcast_in_dim3A_5 masked %lt3A_136 : memref<8x1696xf32, #tpu.memory_space<vmem>>[vector<16xi32>, vector<16xi32>], vector<16xf32>, vector<16xi1>
          %get3A_137 = arith.index_cast %add3A_81 : i32 to index
          %get3A_138 = arith.constant 112 : index
          %get3A_139 = tpu.vector_load %arg4[%get3A_137, %get3A_138] {strides = array<i32>} : memref<32x208xi32, #tpu.memory_space<vmem>>, vector<16xi32>,
          %sub3A_140 = arith.constant 98304 : i32
          %sub3A_141 = vector.broadcast %sub3A_140 : i32 to vector<16xi32>
          %sub3A_142 = arith.subi %get3A_139, %sub3A_141 : vector<16xi32>
          %lt3A_143 = vector.broadcast %scan3A_72 : i32 to vector<16xi32>
          %lt3A_144 = arith.cmpi ult, %sub3A_142, %lt3A_143 : vector<16xi32>
          tpu.vector_store_idx %arg7[%broadcast_in_dim3A_82, %sub3A_142], %broadcast_in_dim3A_5 masked %lt3A_144 : memref<8x1696xf32, #tpu.memory_space<vmem>>[vector<16xi32>, vector<16xi32>], vector<16xf32>, vector<16xi1>
          %get3A_145 = arith.index_cast %add3A_81 : i32 to index
          %get3A_146 = arith.constant 128 : index
          %get3A_147 = tpu.vector_load %arg4[%get3A_145, %get3A_146] {strides = array<i32>} : memref<32x208xi32, #tpu.memory_space<vmem>>, vector<16xi32>,
          %sub3A_148 = arith.constant 98304 : i32
          %sub3A_149 = vector.broadcast %sub3A_148 : i32 to vector<16xi32>
          %sub3A_150 = arith.subi %get3A_147, %sub3A_149 : vector<16xi32>
          %lt3A_151 = vector.broadcast %scan3A_72 : i32 to vector<16xi32>
          %lt3A_152 = arith.cmpi ult, %sub3A_150, %lt3A_151 : vector<16xi32>
          tpu.vector_store_idx %arg7[%broadcast_in_dim3A_82, %sub3A_150], %broadcast_in_dim3A_5 masked %lt3A_152 : memref<8x1696xf32, #tpu.memory_space<vmem>>[vector<16xi32>, vector<16xi32>], vector<16xf32>, vector<16xi1>
          %get3A_153 = arith.index_cast %add3A_81 : i32 to index
          %get3A_154 = arith.constant 144 : index
          %get3A_155 = tpu.vector_load %arg4[%get3A_153, %get3A_154] {strides = array<i32>} : memref<32x208xi32, #tpu.memory_space<vmem>>, vector<16xi32>,
          %sub3A_156 = arith.constant 98304 : i32
          %sub3A_157 = vector.broadcast %sub3A_156 : i32 to vector<16xi32>
          %sub3A_158 = arith.subi %get3A_155, %sub3A_157 : vector<16xi32>
          %lt3A_159 = vector.broadcast %scan3A_72 : i32 to vector<16xi32>
          %lt3A_160 = arith.cmpi ult, %sub3A_158, %lt3A_159 : vector<16xi32>
          tpu.vector_store_idx %arg7[%broadcast_in_dim3A_82, %sub3A_158], %broadcast_in_dim3A_5 masked %lt3A_160 : memref<8x1696xf32, #tpu.memory_space<vmem>>[vector<16xi32>, vector<16xi32>], vector<16xf32>, vector<16xi1>
          %get3A_161 = arith.index_cast %add3A_81 : i32 to index
          %get3A_162 = arith.constant 160 : index
          %get3A_163 = tpu.vector_load %arg4[%get3A_161, %get3A_162] {strides = array<i32>} : memref<32x208xi32, #tpu.memory_space<vmem>>, vector<16xi32>,
          %sub3A_164 = arith.constant 98304 : i32
          %sub3A_165 = vector.broadcast %sub3A_164 : i32 to vector<16xi32>
          %sub3A_166 = arith.subi %get3A_163, %sub3A_165 : vector<16xi32>
          %lt3A_167 = vector.broadcast %scan3A_72 : i32 to vector<16xi32>
          %lt3A_168 = arith.cmpi ult, %sub3A_166, %lt3A_167 : vector<16xi32>
          tpu.vector_store_idx %arg7[%broadcast_in_dim3A_82, %sub3A_166], %broadcast_in_dim3A_5 masked %lt3A_168 : memref<8x1696xf32, #tpu.memory_space<vmem>>[vector<16xi32>, vector<16xi32>], vector<16xf32>, vector<16xi1>
          %get3A_169 = arith.index_cast %add3A_81 : i32 to index
          %get3A_170 = arith.constant 176 : index
          %get3A_171 = tpu.vector_load %arg4[%get3A_169, %get3A_170] {strides = array<i32>} : memref<32x208xi32, #tpu.memory_space<vmem>>, vector<16xi32>,
          %sub3A_172 = arith.constant 98304 : i32
          %sub3A_173 = vector.broadcast %sub3A_172 : i32 to vector<16xi32>
          %sub3A_174 = arith.subi %get3A_171, %sub3A_173 : vector<16xi32>
          %lt3A_175 = vector.broadcast %scan3A_72 : i32 to vector<16xi32>
          %lt3A_176 = arith.cmpi ult, %sub3A_174, %lt3A_175 : vector<16xi32>
          tpu.vector_store_idx %arg7[%broadcast_in_dim3A_82, %sub3A_174], %broadcast_in_dim3A_5 masked %lt3A_176 : memref<8x1696xf32, #tpu.memory_space<vmem>>[vector<16xi32>, vector<16xi32>], vector<16xf32>, vector<16xi1>
          %get3A_177 = arith.index_cast %add3A_81 : i32 to index
          %get3A_178 = arith.constant 192 : index
          %get3A_179 = tpu.vector_load %arg4[%get3A_177, %get3A_178] {strides = array<i32>} : memref<32x208xi32, #tpu.memory_space<vmem>>, vector<16xi32>,
          %sub3A_180 = arith.constant 98304 : i32
          %sub3A_181 = vector.broadcast %sub3A_180 : i32 to vector<16xi32>
          %sub3A_182 = arith.subi %get3A_179, %sub3A_181 : vector<16xi32>
          %lt3A_183 = vector.broadcast %scan3A_72 : i32 to vector<16xi32>
          %lt3A_184 = arith.cmpi ult, %sub3A_182, %lt3A_183 : vector<16xi32>
          tpu.vector_store_idx %arg7[%broadcast_in_dim3A_82, %sub3A_182], %broadcast_in_dim3A_5 masked %lt3A_184 : memref<8x1696xf32, #tpu.memory_space<vmem>>[vector<16xi32>, vector<16xi32>], vector<16xf32>, vector<16xi1>
        }
        %scan3A_77 = arith.constant 8 : i32
      } else {
      }
      %scan3A_52 = arith.constant 0 : i32
      %scan3A_53 = arith.constant 1696 : i32
      %scan3A_54 = arith.constant 0 : i32
      %scan3A_55 = arith.constant 8 : i32
      %scan3A_56 = arith.addi %scan3A_54, %scan3A_55 : i32
      %scan3A_57 = arith.constant 1 : i32
      scf.for %scan3A_64 = %scan3A_54 to %scan3A_56 step %scan3A_57  : i32 {
        %mul3A_65 = arith.constant 8 : i32
        %mul3A_66 = arith.muli %scan3A_42, %mul3A_65 : i32
        %add3A_67 = arith.addi %mul3A_66, %scan3A_64 : i32
        %broadcast_in_dim3A_68 = vector.broadcast %scan3A_64 : i32 to vector<16xi32>
        %get3A = arith.index_cast %add3A_67 : i32 to index
        %get3A_69 = arith.constant 0 : index
        %get3A_70 = tpu.vector_load %arg4[%get3A, %get3A_69] {strides = array<i32>} : memref<32x208xi32, #tpu.memory_space<vmem>>, vector<16xi32>,
        %sub3A = arith.constant 98304 : i32
        %sub3A_71 = vector.broadcast %sub3A : i32 to vector<16xi32>
        %sub3A_72 = arith.subi %get3A_70, %sub3A_71 : vector<16xi32>
        %lt3A = vector.broadcast %scan3A_53 : i32 to vector<16xi32>
        %lt3A_73 = arith.cmpi ult, %sub3A_72, %lt3A : vector<16xi32>
        tpu.vector_store_idx %arg7[%broadcast_in_dim3A_68, %sub3A_72], %broadcast_in_dim3A_7 masked %lt3A_73 : memref<8x1696xf32, #tpu.memory_space<vmem>>[vector<16xi32>, vector<16xi32>], vector<16xf32>, vector<16xi1>
        %get3A_74 = arith.index_cast %add3A_67 : i32 to index
        %get3A_75 = arith.constant 16 : index
        %get3A_76 = tpu.vector_load %arg4[%get3A_74, %get3A_75] {strides = array<i32>} : memref<32x208xi32, #tpu.memory_space<vmem>>, vector<16xi32>,
        %sub3A_77 = arith.constant 98304 : i32
        %sub3A_78 = vector.broadcast %sub3A_77 : i32 to vector<16xi32>
        %sub3A_79 = arith.subi %get3A_76, %sub3A_78 : vector<16xi32>
        %lt3A_80 = vector.broadcast %scan3A_53 : i32 to vector<16xi32>
        %lt3A_81 = arith.cmpi ult, %sub3A_79, %lt3A_80 : vector<16xi32>
        tpu.vector_store_idx %arg7[%broadcast_in_dim3A_68, %sub3A_79], %broadcast_in_dim3A_7 masked %lt3A_81 : memref<8x1696xf32, #tpu.memory_space<vmem>>[vector<16xi32>, vector<16xi32>], vector<16xf32>, vector<16xi1>
        %get3A_82 = arith.index_cast %add3A_67 : i32 to index
        %get3A_83 = arith.constant 32 : index
        %get3A_84 = tpu.vector_load %arg4[%get3A_82, %get3A_83] {strides = array<i32>} : memref<32x208xi32, #tpu.memory_space<vmem>>, vector<16xi32>,
        %sub3A_85 = arith.constant 98304 : i32
        %sub3A_86 = vector.broadcast %sub3A_85 : i32 to vector<16xi32>
        %sub3A_87 = arith.subi %get3A_84, %sub3A_86 : vector<16xi32>
        %lt3A_88 = vector.broadcast %scan3A_53 : i32 to vector<16xi32>
        %lt3A_89 = arith.cmpi ult, %sub3A_87, %lt3A_88 : vector<16xi32>
        tpu.vector_store_idx %arg7[%broadcast_in_dim3A_68, %sub3A_87], %broadcast_in_dim3A_7 masked %lt3A_89 : memref<8x1696xf32, #tpu.memory_space<vmem>>[vector<16xi32>, vector<16xi32>], vector<16xf32>, vector<16xi1>
        %get3A_90 = arith.index_cast %add3A_67 : i32 to index
        %get3A_91 = arith.constant 48 : index
        %get3A_92 = tpu.vector_load %arg4[%get3A_90, %get3A_91] {strides = array<i32>} : memref<32x208xi32, #tpu.memory_space<vmem>>, vector<16xi32>,
        %sub3A_93 = arith.constant 98304 : i32
        %sub3A_94 = vector.broadcast %sub3A_93 : i32 to vector<16xi32>
        %sub3A_95 = arith.subi %get3A_92, %sub3A_94 : vector<16xi32>
        %lt3A_96 = vector.broadcast %scan3A_53 : i32 to vector<16xi32>
        %lt3A_97 = arith.cmpi ult, %sub3A_95, %lt3A_96 : vector<16xi32>
        tpu.vector_store_idx %arg7[%broadcast_in_dim3A_68, %sub3A_95], %broadcast_in_dim3A_7 masked %lt3A_97 : memref<8x1696xf32, #tpu.memory_space<vmem>>[vector<16xi32>, vector<16xi32>], vector<16xf32>, vector<16xi1>
        %get3A_98 = arith.index_cast %add3A_67 : i32 to index
        %get3A_99 = arith.constant 64 : index
        %get3A_100 = tpu.vector_load %arg4[%get3A_98, %get3A_99] {strides = array<i32>} : memref<32x208xi32, #tpu.memory_space<vmem>>, vector<16xi32>,
        %sub3A_101 = arith.constant 98304 : i32
        %sub3A_102 = vector.broadcast %sub3A_101 : i32 to vector<16xi32>
        %sub3A_103 = arith.subi %get3A_100, %sub3A_102 : vector<16xi32>
        %lt3A_104 = vector.broadcast %scan3A_53 : i32 to vector<16xi32>
        %lt3A_105 = arith.cmpi ult, %sub3A_103, %lt3A_104 : vector<16xi32>
        tpu.vector_store_idx %arg7[%broadcast_in_dim3A_68, %sub3A_103], %broadcast_in_dim3A_7 masked %lt3A_105 : memref<8x1696xf32, #tpu.memory_space<vmem>>[vector<16xi32>, vector<16xi32>], vector<16xf32>, vector<16xi1>
        %get3A_106 = arith.index_cast %add3A_67 : i32 to index
        %get3A_107 = arith.constant 80 : index
        %get3A_108 = tpu.vector_load %arg4[%get3A_106, %get3A_107] {strides = array<i32>} : memref<32x208xi32, #tpu.memory_space<vmem>>, vector<16xi32>,
        %sub3A_109 = arith.constant 98304 : i32
        %sub3A_110 = vector.broadcast %sub3A_109 : i32 to vector<16xi32>
        %sub3A_111 = arith.subi %get3A_108, %sub3A_110 : vector<16xi32>
        %lt3A_112 = vector.broadcast %scan3A_53 : i32 to vector<16xi32>
        %lt3A_113 = arith.cmpi ult, %sub3A_111, %lt3A_112 : vector<16xi32>
        tpu.vector_store_idx %arg7[%broadcast_in_dim3A_68, %sub3A_111], %broadcast_in_dim3A_7 masked %lt3A_113 : memref<8x1696xf32, #tpu.memory_space<vmem>>[vector<16xi32>, vector<16xi32>], vector<16xf32>, vector<16xi1>
        %get3A_114 = arith.index_cast %add3A_67 : i32 to index
        %get3A_115 = arith.constant 96 : index
        %get3A_116 = tpu.vector_load %arg4[%get3A_114, %get3A_115] {strides = array<i32>} : memref<32x208xi32, #tpu.memory_space<vmem>>, vector<16xi32>,
        %sub3A_117 = arith.constant 98304 : i32
        %sub3A_118 = vector.broadcast %sub3A_117 : i32 to vector<16xi32>
        %sub3A_119 = arith.subi %get3A_116, %sub3A_118 : vector<16xi32>
        %lt3A_120 = vector.broadcast %scan3A_53 : i32 to vector<16xi32>
        %lt3A_121 = arith.cmpi ult, %sub3A_119, %lt3A_120 : vector<16xi32>
        tpu.vector_store_idx %arg7[%broadcast_in_dim3A_68, %sub3A_119], %broadcast_in_dim3A_7 masked %lt3A_121 : memref<8x1696xf32, #tpu.memory_space<vmem>>[vector<16xi32>, vector<16xi32>], vector<16xf32>, vector<16xi1>
        %get3A_122 = arith.index_cast %add3A_67 : i32 to index
        %get3A_123 = arith.constant 112 : index
        %get3A_124 = tpu.vector_load %arg4[%get3A_122, %get3A_123] {strides = array<i32>} : memref<32x208xi32, #tpu.memory_space<vmem>>, vector<16xi32>,
        %sub3A_125 = arith.constant 98304 : i32
        %sub3A_126 = vector.broadcast %sub3A_125 : i32 to vector<16xi32>
        %sub3A_127 = arith.subi %get3A_124, %sub3A_126 : vector<16xi32>
        %lt3A_128 = vector.broadcast %scan3A_53 : i32 to vector<16xi32>
        %lt3A_129 = arith.cmpi ult, %sub3A_127, %lt3A_128 : vector<16xi32>
        tpu.vector_store_idx %arg7[%broadcast_in_dim3A_68, %sub3A_127], %broadcast_in_dim3A_7 masked %lt3A_129 : memref<8x1696xf32, #tpu.memory_space<vmem>>[vector<16xi32>, vector<16xi32>], vector<16xf32>, vector<16xi1>
        %get3A_130 = arith.index_cast %add3A_67 : i32 to index
        %get3A_131 = arith.constant 128 : index
        %get3A_132 = tpu.vector_load %arg4[%get3A_130, %get3A_131] {strides = array<i32>} : memref<32x208xi32, #tpu.memory_space<vmem>>, vector<16xi32>,
        %sub3A_133 = arith.constant 98304 : i32
        %sub3A_134 = vector.broadcast %sub3A_133 : i32 to vector<16xi32>
        %sub3A_135 = arith.subi %get3A_132, %sub3A_134 : vector<16xi32>
        %lt3A_136 = vector.broadcast %scan3A_53 : i32 to vector<16xi32>
        %lt3A_137 = arith.cmpi ult, %sub3A_135, %lt3A_136 : vector<16xi32>
        tpu.vector_store_idx %arg7[%broadcast_in_dim3A_68, %sub3A_135], %broadcast_in_dim3A_7 masked %lt3A_137 : memref<8x1696xf32, #tpu.memory_space<vmem>>[vector<16xi32>, vector<16xi32>], vector<16xf32>, vector<16xi1>
        %get3A_138 = arith.index_cast %add3A_67 : i32 to index
        %get3A_139 = arith.constant 144 : index
        %get3A_140 = tpu.vector_load %arg4[%get3A_138, %get3A_139] {strides = array<i32>} : memref<32x208xi32, #tpu.memory_space<vmem>>, vector<16xi32>,
        %sub3A_141 = arith.constant 98304 : i32
        %sub3A_142 = vector.broadcast %sub3A_141 : i32 to vector<16xi32>
        %sub3A_143 = arith.subi %get3A_140, %sub3A_142 : vector<16xi32>
        %lt3A_144 = vector.broadcast %scan3A_53 : i32 to vector<16xi32>
        %lt3A_145 = arith.cmpi ult, %sub3A_143, %lt3A_144 : vector<16xi32>
        tpu.vector_store_idx %arg7[%broadcast_in_dim3A_68, %sub3A_143], %broadcast_in_dim3A_7 masked %lt3A_145 : memref<8x1696xf32, #tpu.memory_space<vmem>>[vector<16xi32>, vector<16xi32>], vector<16xf32>, vector<16xi1>
        %get3A_146 = arith.index_cast %add3A_67 : i32 to index
        %get3A_147 = arith.constant 160 : index
        %get3A_148 = tpu.vector_load %arg4[%get3A_146, %get3A_147] {strides = array<i32>} : memref<32x208xi32, #tpu.memory_space<vmem>>, vector<16xi32>,
        %sub3A_149 = arith.constant 98304 : i32
        %sub3A_150 = vector.broadcast %sub3A_149 : i32 to vector<16xi32>
        %sub3A_151 = arith.subi %get3A_148, %sub3A_150 : vector<16xi32>
        %lt3A_152 = vector.broadcast %scan3A_53 : i32 to vector<16xi32>
        %lt3A_153 = arith.cmpi ult, %sub3A_151, %lt3A_152 : vector<16xi32>
        tpu.vector_store_idx %arg7[%broadcast_in_dim3A_68, %sub3A_151], %broadcast_in_dim3A_7 masked %lt3A_153 : memref<8x1696xf32, #tpu.memory_space<vmem>>[vector<16xi32>, vector<16xi32>], vector<16xf32>, vector<16xi1>
        %get3A_154 = arith.index_cast %add3A_67 : i32 to index
        %get3A_155 = arith.constant 176 : index
        %get3A_156 = tpu.vector_load %arg4[%get3A_154, %get3A_155] {strides = array<i32>} : memref<32x208xi32, #tpu.memory_space<vmem>>, vector<16xi32>,
        %sub3A_157 = arith.constant 98304 : i32
        %sub3A_158 = vector.broadcast %sub3A_157 : i32 to vector<16xi32>
        %sub3A_159 = arith.subi %get3A_156, %sub3A_158 : vector<16xi32>
        %lt3A_160 = vector.broadcast %scan3A_53 : i32 to vector<16xi32>
        %lt3A_161 = arith.cmpi ult, %sub3A_159, %lt3A_160 : vector<16xi32>
        tpu.vector_store_idx %arg7[%broadcast_in_dim3A_68, %sub3A_159], %broadcast_in_dim3A_7 masked %lt3A_161 : memref<8x1696xf32, #tpu.memory_space<vmem>>[vector<16xi32>, vector<16xi32>], vector<16xf32>, vector<16xi1>
        %get3A_162 = arith.index_cast %add3A_67 : i32 to index
        %get3A_163 = arith.constant 192 : index
        %get3A_164 = tpu.vector_load %arg4[%get3A_162, %get3A_163] {strides = array<i32>} : memref<32x208xi32, #tpu.memory_space<vmem>>, vector<16xi32>,
        %sub3A_165 = arith.constant 98304 : i32
        %sub3A_166 = vector.broadcast %sub3A_165 : i32 to vector<16xi32>
        %sub3A_167 = arith.subi %get3A_164, %sub3A_166 : vector<16xi32>
        %lt3A_168 = vector.broadcast %scan3A_53 : i32 to vector<16xi32>
        %lt3A_169 = arith.cmpi ult, %sub3A_167, %lt3A_168 : vector<16xi32>
        tpu.vector_store_idx %arg7[%broadcast_in_dim3A_68, %sub3A_167], %broadcast_in_dim3A_7 masked %lt3A_169 : memref<8x1696xf32, #tpu.memory_space<vmem>>[vector<16xi32>, vector<16xi32>], vector<16xf32>, vector<16xi1>
      }
      %scan3A_58 = arith.constant 8 : i32
      %mul3A_59 = arith.constant 8 : i32
      %mul3A_60 = arith.muli %add3A_43, %mul3A_59 : i32
      %dma_start3A = arith.constant 98304 : i32
      %dma_start3A_61 = tpu.memref_slice %arg3[%mul3A_60, %dma_start3A] : memref<1024x100000xf32, #tpu.memory_space<hbm>> -> memref<8x1696xf32, #tpu.memory_space<hbm>>
      %dma_start3A_62 = arith.constant 98304 : i32
      %dma_start3A_63 = tpu.memref_slice %arg3[%mul3A_60, %dma_start3A_62] : memref<1024x100000xf32, #tpu.memory_space<hbm>> -> memref<8x1696xf32, #tpu.memory_space<hbm>>
      tpu.enqueue_dma source(%arg7 : memref<8x1696xf32, #tpu.memory_space<vmem>>) target(%dma_start3A_63 : memref<8x1696xf32, #tpu.memory_space<hbm>>) target_semaphore(%arg10 : memref<!tpu.dma_semaphore, #tpu.memory_space<semaphore_mem>>)
    }
    %scan3A_24 = arith.constant 4 : i32
    %dma_wait3A = arith.constant 0 : i32
    %dma_wait3A_25 = arith.constant 0 : i32
    %dma_wait3A_26 = tpu.memref_slice %arg3[%dma_wait3A, %dma_wait3A_25] : memref<1024x100000xf32, #tpu.memory_space<hbm>> -> memref<8x6144xf32, #tpu.memory_space<hbm>>
    %dma_wait3A_27 = arith.constant 0 : i32
    %dma_wait3A_28 = arith.constant 0 : i32
    %dma_wait3A_29 = tpu.memref_slice %arg3[%dma_wait3A_27, %dma_wait3A_28] : memref<1024x100000xf32, #tpu.memory_space<hbm>> -> memref<8x6144xf32, #tpu.memory_space<hbm>>
    tpu.wait_dma2 semaphore(%arg8 : memref<!tpu.dma_semaphore, #tpu.memory_space<semaphore_mem>>) src(%arg5 : memref<8x6144xf32, #tpu.memory_space<vmem>>) dst(%dma_wait3A_29 : memref<8x6144xf32, #tpu.memory_space<hbm>>)
    %dma_wait3A_30 = arith.constant 0 : i32
    %dma_wait3A_31 = arith.constant 0 : i32
    %dma_wait3A_32 = tpu.memref_slice %arg3[%dma_wait3A_30, %dma_wait3A_31] : memref<1024x100000xf32, #tpu.memory_space<hbm>> -> memref<8x6144xf32, #tpu.memory_space<hbm>>
    %dma_wait3A_33 = arith.constant 0 : i32
    %dma_wait3A_34 = arith.constant 0 : i32
    %dma_wait3A_35 = tpu.memref_slice %arg3[%dma_wait3A_33, %dma_wait3A_34] : memref<1024x100000xf32, #tpu.memory_space<hbm>> -> memref<8x6144xf32, #tpu.memory_space<hbm>>
    tpu.wait_dma2 semaphore(%arg9 : memref<!tpu.dma_semaphore, #tpu.memory_space<semaphore_mem>>) src(%arg6 : memref<8x6144xf32, #tpu.memory_space<vmem>>) dst(%dma_wait3A_35 : memref<8x6144xf32, #tpu.memory_space<hbm>>)
    %dma_wait3A_36 = arith.constant 0 : i32
    %dma_wait3A_37 = arith.constant 98304 : i32
    %dma_wait3A_38 = tpu.memref_slice %arg3[%dma_wait3A_36, %dma_wait3A_37] : memref<1024x100000xf32, #tpu.memory_space<hbm>> -> memref<8x1696xf32, #tpu.memory_space<hbm>>
    %dma_wait3A_39 = arith.constant 0 : i32
    %dma_wait3A_40 = arith.constant 98304 : i32
    %dma_wait3A_41 = tpu.memref_slice %arg3[%dma_wait3A_39, %dma_wait3A_40] : memref<1024x100000xf32, #tpu.memory_space<hbm>> -> memref<8x1696xf32, #tpu.memory_space<hbm>>
    tpu.wait_dma2 semaphore(%arg10 : memref<!tpu.dma_semaphore, #tpu.memory_space<semaphore_mem>>) src(%arg7 : memref<8x1696xf32, #tpu.memory_space<vmem>>) dst(%dma_wait3A_41 : memref<8x1696xf32, #tpu.memory_space<hbm>>)
    return
  }
}

#map = affine_map<(d0, d1) -> (0, 0, 0)>
#map1 = affine_map<(d0, d1) -> (0, 0)>
#map2 = affine_map<(d0, d1) -> (0)>
module attributes {stable_mosaic.version = 14 : i64} {
  func.func @_preds_body(%arg0: i32, %arg1: i32, %arg2: memref<1024x2x104xi32, #tpu.memory_space<hbm>>, %arg3: memref<100000x32xf32, #tpu.memory_space<hbm>>, %arg4: memref<48xf32, #tpu.memory_space<hbm>>, %arg5: memref<1024xf32, #tpu.memory_space<hbm>>, %arg6: memref<32x2x104xi32, #tpu.memory_space<vmem>>, %arg7: memref<208x32xf32, #tpu.memory_space<vmem>>, %arg8: memref<48xf32, #tpu.memory_space<vmem>>, %arg9: memref<32xf32, #tpu.memory_space<vmem>>, %arg10: memref<!tpu.dma_semaphore, #tpu.memory_space<semaphore_mem>>) attributes {dimension_semantics = [#tpu.dimension_semantics<core_parallel>, #tpu.dimension_semantics<subcore_parallel>], iteration_bounds = array<i64: 2, 16>, scalar_prefetch = 0 : i64, scratch_operands = 5 : i64, tpu.core_type = #tpu.core_type<sc_vector_subcore>, window_params = [{transform_indices = #map}, {transform_indices = #map1}, {transform_indices = #map2}, {transform_indices = #map2}]} {
    %mul3A = arith.constant 2 : i32
    %mul3A_0 = arith.muli %arg1, %mul3A : i32
    %add3A = arith.addi %mul3A_0, %arg0 : i32
    %mul3A_1 = arith.constant 32 : i32
    %mul3A_2 = arith.muli %add3A, %mul3A_1 : i32
    "tpu.region"() ({
      %run_scoped3A = tpu.sem_alloc : memref<!tpu.dma_semaphore, #tpu.memory_space<semaphore_mem>>
      %dma_start3A = arith.constant 0 : i32
      %dma_start3A_42 = arith.constant 0 : i32
      %dma_start3A_43 = tpu.memref_slice %arg2[%mul3A_2, %dma_start3A, %dma_start3A_42] : memref<1024x2x104xi32, #tpu.memory_space<hbm>> -> memref<32x2x104xi32, #tpu.memory_space<hbm>>
      %dma_start3A_44 = arith.constant 0 : i32
      %dma_start3A_45 = arith.constant 0 : i32
      %dma_start3A_46 = tpu.memref_slice %arg2[%mul3A_2, %dma_start3A_44, %dma_start3A_45] : memref<1024x2x104xi32, #tpu.memory_space<hbm>> -> memref<32x2x104xi32, #tpu.memory_space<hbm>>
      tpu.enqueue_dma source(%dma_start3A_46 : memref<32x2x104xi32, #tpu.memory_space<hbm>>) target(%arg6 : memref<32x2x104xi32, #tpu.memory_space<vmem>>) target_semaphore(%run_scoped3A : memref<!tpu.dma_semaphore, #tpu.memory_space<semaphore_mem>>)
      %dma_wait3A = arith.constant 0 : i32
      %dma_wait3A_47 = arith.constant 0 : i32
      %dma_wait3A_48 = tpu.memref_slice %arg2[%mul3A_2, %dma_wait3A, %dma_wait3A_47] : memref<1024x2x104xi32, #tpu.memory_space<hbm>> -> memref<32x2x104xi32, #tpu.memory_space<hbm>>
      %dma_wait3A_49 = arith.constant 0 : i32
      %dma_wait3A_50 = arith.constant 0 : i32
      %dma_wait3A_51 = tpu.memref_slice %arg2[%mul3A_2, %dma_wait3A_49, %dma_wait3A_50] : memref<1024x2x104xi32, #tpu.memory_space<hbm>> -> memref<32x2x104xi32, #tpu.memory_space<hbm>>
      tpu.wait_dma2 semaphore(%run_scoped3A : memref<!tpu.dma_semaphore, #tpu.memory_space<semaphore_mem>>) src(%dma_wait3A_51 : memref<32x2x104xi32, #tpu.memory_space<hbm>>) dst(%arg6 : memref<32x2x104xi32, #tpu.memory_space<vmem>>)
      tpu.yield
    }) : () -> ()
    "tpu.region"() ({
      %run_scoped3A = tpu.sem_alloc : memref<!tpu.dma_semaphore, #tpu.memory_space<semaphore_mem>>
      tpu.enqueue_dma source(%arg4 : memref<48xf32, #tpu.memory_space<hbm>>) target(%arg8 : memref<48xf32, #tpu.memory_space<vmem>>) target_semaphore(%run_scoped3A : memref<!tpu.dma_semaphore, #tpu.memory_space<semaphore_mem>>)
      tpu.wait_dma2 semaphore(%run_scoped3A : memref<!tpu.dma_semaphore, #tpu.memory_space<semaphore_mem>>) src(%arg4 : memref<48xf32, #tpu.memory_space<hbm>>) dst(%arg8 : memref<48xf32, #tpu.memory_space<vmem>>)
      tpu.yield
    }) : () -> ()
    %broadcast_in_dim3A = arith.constant 0.000000e+00 : f32
    %broadcast_in_dim3A_3 = vector.broadcast %broadcast_in_dim3A : f32 to vector<16xf32>
    %iota3A = tpu.iota {dimensions = array<i32: 0>} : vector<16xi32>
    %eq3A = arith.constant 0 : i32
    %eq3A_4 = vector.broadcast %eq3A : i32 to vector<16xi32>
    %eq3A_5 = arith.cmpi eq, %iota3A, %eq3A_4 : vector<16xi32>
    %get3A = arith.constant 0 : index
    %get3A_6 = tpu.vector_load %arg8[%get3A] {strides = array<i32>} : memref<48xf32, #tpu.memory_space<vmem>>, vector<16xf32>,
    %get3A_7 = arith.constant 16 : index
    %get3A_8 = tpu.vector_load %arg8[%get3A_7] {strides = array<i32>} : memref<48xf32, #tpu.memory_space<vmem>>, vector<16xf32>,
    %scan3A = arith.constant 0 : i32
    %scan3A_9 = arith.constant 0 : i32
    %scan3A_10 = arith.constant 32 : i32
    %scan3A_11 = arith.addi %scan3A_9, %scan3A_10 : i32
    %scan3A_12 = arith.constant 1 : i32
    scf.for %scan3A_42 = %scan3A_9 to %scan3A_11 step %scan3A_12  : i32 {
      %dma_start3A = arith.constant 0 : i32
      %dma_start3A_43 = arith.constant 0 : i32
      %dma_start3A_44 = arith.constant 0 : i32
      %dma_start3A_45 = tpu.memref_slice %arg7[%dma_start3A_43, %dma_start3A_44] : memref<208x32xf32, #tpu.memory_space<vmem>> -> memref<104x32xf32, #tpu.memory_space<vmem>>
      %dma_start3A_46 = arith.constant 0 : i32
      %dma_start3A_47 = tpu.memref_slice %arg6[%scan3A_42, %dma_start3A, %dma_start3A_46] : memref<32x2x104xi32, #tpu.memory_space<vmem>> -> memref<1x1x104xi32, #tpu.memory_space<vmem>>
      %dma_start3A_48 = tpu.memref_squeeze %dma_start3A_47 : memref<1x1x104xi32, #tpu.memory_space<vmem>> -> memref<104xi32, #tpu.memory_space<vmem>>
      %dma_start3A_49 = arith.constant 0 : i32
      %dma_start3A_50 = arith.constant 0 : i32
      %dma_start3A_51 = tpu.memref_slice %arg3[%dma_start3A_49, %dma_start3A_50] : memref<100000x32xf32, #tpu.memory_space<hbm>> -> memref<100000x32xf32, #tpu.memory_space<hbm>>
      tpu.enqueue_indirect_dma source(%dma_start3A_51 : memref<100000x32xf32, #tpu.memory_space<hbm>>) target(%dma_start3A_45 : memref<104x32xf32, #tpu.memory_space<vmem>>) offsets(%dma_start3A_48 : memref<104xi32, #tpu.memory_space<vmem>>) semaphore(%arg10 : memref<!tpu.dma_semaphore, #tpu.memory_space<semaphore_mem>>)
      %dma_start3A_52 = arith.constant 1 : i32
      %dma_start3A_53 = arith.constant 104 : i32
      %dma_start3A_54 = arith.constant 0 : i32
      %dma_start3A_55 = tpu.memref_slice %arg7[%dma_start3A_53, %dma_start3A_54] : memref<208x32xf32, #tpu.memory_space<vmem>> -> memref<104x32xf32, #tpu.memory_space<vmem>>
      %dma_start3A_56 = arith.constant 0 : i32
      %dma_start3A_57 = tpu.memref_slice %arg6[%scan3A_42, %dma_start3A_52, %dma_start3A_56] : memref<32x2x104xi32, #tpu.memory_space<vmem>> -> memref<1x1x104xi32, #tpu.memory_space<vmem>>
      %dma_start3A_58 = tpu.memref_squeeze %dma_start3A_57 : memref<1x1x104xi32, #tpu.memory_space<vmem>> -> memref<104xi32, #tpu.memory_space<vmem>>
      %dma_start3A_59 = arith.constant 0 : i32
      %dma_start3A_60 = arith.constant 0 : i32
      %dma_start3A_61 = tpu.memref_slice %arg3[%dma_start3A_59, %dma_start3A_60] : memref<100000x32xf32, #tpu.memory_space<hbm>> -> memref<100000x32xf32, #tpu.memory_space<hbm>>
      tpu.enqueue_indirect_dma source(%dma_start3A_61 : memref<100000x32xf32, #tpu.memory_space<hbm>>) target(%dma_start3A_55 : memref<104x32xf32, #tpu.memory_space<vmem>>) offsets(%dma_start3A_58 : memref<104xi32, #tpu.memory_space<vmem>>) semaphore(%arg10 : memref<!tpu.dma_semaphore, #tpu.memory_space<semaphore_mem>>)
      %dma_wait3A = arith.constant 0 : i32
      %dma_wait3A_62 = arith.constant 0 : i32
      %dma_wait3A_63 = arith.constant 0 : i32
      %dma_wait3A_64 = tpu.memref_slice %arg7[%dma_wait3A_62, %dma_wait3A_63] : memref<208x32xf32, #tpu.memory_space<vmem>> -> memref<104x32xf32, #tpu.memory_space<vmem>>
      %dma_wait3A_65 = arith.constant 0 : i32
      %dma_wait3A_66 = tpu.memref_slice %arg6[%scan3A_42, %dma_wait3A, %dma_wait3A_65] : memref<32x2x104xi32, #tpu.memory_space<vmem>> -> memref<1x1x104xi32, #tpu.memory_space<vmem>>
      %dma_wait3A_67 = tpu.memref_squeeze %dma_wait3A_66 : memref<1x1x104xi32, #tpu.memory_space<vmem>> -> memref<104xi32, #tpu.memory_space<vmem>>
      %dma_wait3A_68 = arith.constant 0 : i32
      %dma_wait3A_69 = arith.constant 0 : i32
      %dma_wait3A_70 = tpu.memref_slice %arg3[%dma_wait3A_68, %dma_wait3A_69] : memref<100000x32xf32, #tpu.memory_space<hbm>> -> memref<100000x32xf32, #tpu.memory_space<hbm>>
      tpu.wait_indirect_dma semaphore(%arg10 : memref<!tpu.dma_semaphore, #tpu.memory_space<semaphore_mem>>) src(%dma_wait3A_70 : memref<100000x32xf32, #tpu.memory_space<hbm>>) dst(%dma_wait3A_64 : memref<104x32xf32, #tpu.memory_space<vmem>>)
      %dma_wait3A_71 = arith.constant 1 : i32
      %dma_wait3A_72 = arith.constant 104 : i32
      %dma_wait3A_73 = arith.constant 0 : i32
      %dma_wait3A_74 = tpu.memref_slice %arg7[%dma_wait3A_72, %dma_wait3A_73] : memref<208x32xf32, #tpu.memory_space<vmem>> -> memref<104x32xf32, #tpu.memory_space<vmem>>
      %dma_wait3A_75 = arith.constant 0 : i32
      %dma_wait3A_76 = tpu.memref_slice %arg6[%scan3A_42, %dma_wait3A_71, %dma_wait3A_75] : memref<32x2x104xi32, #tpu.memory_space<vmem>> -> memref<1x1x104xi32, #tpu.memory_space<vmem>>
      %dma_wait3A_77 = tpu.memref_squeeze %dma_wait3A_76 : memref<1x1x104xi32, #tpu.memory_space<vmem>> -> memref<104xi32, #tpu.memory_space<vmem>>
      %dma_wait3A_78 = arith.constant 0 : i32
      %dma_wait3A_79 = arith.constant 0 : i32
      %dma_wait3A_80 = tpu.memref_slice %arg3[%dma_wait3A_78, %dma_wait3A_79] : memref<100000x32xf32, #tpu.memory_space<hbm>> -> memref<100000x32xf32, #tpu.memory_space<hbm>>
      tpu.wait_indirect_dma semaphore(%arg10 : memref<!tpu.dma_semaphore, #tpu.memory_space<semaphore_mem>>) src(%dma_wait3A_80 : memref<100000x32xf32, #tpu.memory_space<hbm>>) dst(%dma_wait3A_74 : memref<104x32xf32, #tpu.memory_space<vmem>>)
      %scan3A_81 = arith.constant 0 : i32
      %scan3A_82 = arith.constant 200 : i32
      %scan3A_83 = arith.addi %scan3A_81, %scan3A_82 : i32
      %scan3A_84 = arith.constant 1 : i32
      %scan3A_85:2 = scf.for %scan3A_97 = %scan3A_81 to %scan3A_83 step %scan3A_84 iter_args(%scan3A_98 = %broadcast_in_dim3A_3, %scan3A_99 = %broadcast_in_dim3A_3) -> (vector<16xf32>, vector<16xf32>)  : i32 {
        %get3A_100 = arith.index_cast %scan3A_97 : i32 to index
        %get3A_101 = arith.constant 0 : index
        %get3A_102 = tpu.vector_load %arg7[%get3A_100, %get3A_101] {strides = array<i32>} : memref<208x32xf32, #tpu.memory_space<vmem>>, vector<16xf32>,
        %add3A_103 = arith.addf %scan3A_98, %get3A_102 : vector<16xf32>
        %get3A_104 = arith.index_cast %scan3A_97 : i32 to index
        %get3A_105 = arith.constant 16 : index
        %get3A_106 = tpu.vector_load %arg7[%get3A_104, %get3A_105] {strides = array<i32>} : memref<208x32xf32, #tpu.memory_space<vmem>>, vector<16xf32>,
        %add3A_107 = arith.addf %scan3A_99, %get3A_106 : vector<16xf32>
        scf.yield %add3A_103, %add3A_107 : vector<16xf32>, vector<16xf32>
      }
      %scan3A_86 = arith.constant 200 : i32
      %mul3A_87 = arith.mulf %scan3A_85#0, %get3A_6 : vector<16xf32>
      %mul3A_88 = arith.mulf %scan3A_85#1, %get3A_8 : vector<16xf32>
      %add3A_89 = arith.addf %mul3A_87, %mul3A_88 : vector<16xf32>
      %reduce_sum3A = arith.constant true
      %reduce_sum3A_90 = vector.broadcast %reduce_sum3A : i1 to vector<16xi1>
      %reduce_sum3A_91 = tpu.scan <sum>, %add3A_89 masked %reduce_sum3A_90 : vector<16xf32>, vector<16xi1> -> vector<16xf32>
      %reduce_sum3A_92 = vector.extract %reduce_sum3A_91[15] : f32 from vector<16xf32>
      %mul3A_93 = arith.constant 5.000000e-03 : f32
      %mul3A_94 = arith.mulf %reduce_sum3A_92, %mul3A_93 : f32
      %broadcast_in_dim3A_95 = vector.broadcast %scan3A_42 : i32 to vector<16xi32>
      %broadcast_in_dim3A_96 = vector.broadcast %mul3A_94 : f32 to vector<16xf32>
      tpu.vector_store_idx %arg9[%broadcast_in_dim3A_95], %broadcast_in_dim3A_96 masked %eq3A_5 : memref<32xf32, #tpu.memory_space<vmem>>[vector<16xi32>], vector<16xf32>, vector<16xi1>
    }
    %scan3A_13 = arith.constant 32 : i32
    %get3A_14 = arith.constant 32 : index
    %get3A_15 = tpu.vector_load %arg8[%get3A_14] {strides = array<i32>} : memref<48xf32, #tpu.memory_space<vmem>>, vector<16xf32>,
    %get3A_16 = arith.constant 0 : index
    %get3A_17 = tpu.vector_load %arg9[%get3A_16] {strides = array<i32>} : memref<32xf32, #tpu.memory_space<vmem>>, vector<16xf32>,
    %add3A_18 = arith.addf %get3A_17, %get3A_15 : vector<16xf32>
    %neg3A = arith.constant 0.000000e+00 : f32
    %neg3A_19 = vector.broadcast %neg3A : f32 to vector<16xf32>
    %neg3A_20 = arith.subf %neg3A_19, %add3A_18 : vector<16xf32>
    %exp3A = math.exp %neg3A_20 : vector<16xf32>
    %add3A_21 = arith.constant 1.000000e+00 : f32
    %add3A_22 = vector.broadcast %add3A_21 : f32 to vector<16xf32>
    %add3A_23 = arith.addf %add3A_22, %exp3A : vector<16xf32>
    %div3A = arith.constant 1.000000e+00 : f32
    %div3A_24 = vector.broadcast %div3A : f32 to vector<16xf32>
    %div3A_25 = arith.divf %div3A_24, %add3A_23 : vector<16xf32>
    %swap3A = arith.constant 0 : index
    %swap3A_26 = tpu.vector_load %arg9[%swap3A] {strides = array<i32>} : memref<32xf32, #tpu.memory_space<vmem>>, vector<16xf32>,
    tpu.vector_store %arg9[%swap3A], %div3A_25 {strides = array<i32>} : memref<32xf32, #tpu.memory_space<vmem>>, vector<16xf32>,
    %get3A_27 = arith.constant 16 : index
    %get3A_28 = tpu.vector_load %arg9[%get3A_27] {strides = array<i32>} : memref<32xf32, #tpu.memory_space<vmem>>, vector<16xf32>,
    %add3A_29 = arith.addf %get3A_28, %get3A_15 : vector<16xf32>
    %neg3A_30 = arith.constant 0.000000e+00 : f32
    %neg3A_31 = vector.broadcast %neg3A_30 : f32 to vector<16xf32>
    %neg3A_32 = arith.subf %neg3A_31, %add3A_29 : vector<16xf32>
    %exp3A_33 = math.exp %neg3A_32 : vector<16xf32>
    %add3A_34 = arith.constant 1.000000e+00 : f32
    %add3A_35 = vector.broadcast %add3A_34 : f32 to vector<16xf32>
    %add3A_36 = arith.addf %add3A_35, %exp3A_33 : vector<16xf32>
    %div3A_37 = arith.constant 1.000000e+00 : f32
    %div3A_38 = vector.broadcast %div3A_37 : f32 to vector<16xf32>
    %div3A_39 = arith.divf %div3A_38, %add3A_36 : vector<16xf32>
    %swap3A_40 = arith.constant 16 : index
    %swap3A_41 = tpu.vector_load %arg9[%swap3A_40] {strides = array<i32>} : memref<32xf32, #tpu.memory_space<vmem>>, vector<16xf32>,
    tpu.vector_store %arg9[%swap3A_40], %div3A_39 {strides = array<i32>} : memref<32xf32, #tpu.memory_space<vmem>>, vector<16xf32>,
    "tpu.region"() ({
      %run_scoped3A = tpu.sem_alloc : memref<!tpu.dma_semaphore, #tpu.memory_space<semaphore_mem>>
      %dma_start3A = tpu.memref_slice %arg5[%mul3A_2] : memref<1024xf32, #tpu.memory_space<hbm>> -> memref<32xf32, #tpu.memory_space<hbm>>
      %dma_start3A_42 = tpu.memref_slice %arg5[%mul3A_2] : memref<1024xf32, #tpu.memory_space<hbm>> -> memref<32xf32, #tpu.memory_space<hbm>>
      tpu.enqueue_dma source(%arg9 : memref<32xf32, #tpu.memory_space<vmem>>) target(%dma_start3A_42 : memref<32xf32, #tpu.memory_space<hbm>>) target_semaphore(%run_scoped3A : memref<!tpu.dma_semaphore, #tpu.memory_space<semaphore_mem>>)
      %dma_wait3A = tpu.memref_slice %arg5[%mul3A_2] : memref<1024xf32, #tpu.memory_space<hbm>> -> memref<32xf32, #tpu.memory_space<hbm>>
      %dma_wait3A_43 = tpu.memref_slice %arg5[%mul3A_2] : memref<1024xf32, #tpu.memory_space<hbm>> -> memref<32xf32, #tpu.memory_space<hbm>>
      tpu.wait_dma2 semaphore(%run_scoped3A : memref<!tpu.dma_semaphore, #tpu.memory_space<semaphore_mem>>) src(%arg9 : memref<32xf32, #tpu.memory_space<vmem>>) dst(%dma_wait3A_43 : memref<32xf32, #tpu.memory_space<hbm>>)
      tpu.yield
    }) : () -> ()
    return
  }
}

</mosaic_0001>

<sc_bundles>
// kernel: kernel.4.cloned.1.call-start
scs
__scs_entry_jumppad:
0x0: {  	(pc) =	sbr.rel $0x88, $3  }
0x1: {  	(tag) =	ssettag $0x0;
	lr =	simm.s32 $0x1  }
0x2: {  	[smem:$0x3F9D] =	sst lr;
	_ =	strace $0xD0000000  }
0x3: {  	_ = 	snop  }
0x4: {  	_ = 	snop  }
0x5: {  	_ = 	snop  }
0x6: {  	_ = 	snop  }
0x7: {  	_ = 	snop  }
__scs_overlays_trampoline_lowered:
0x8: {  	[smem:$0x3FAC] =	sst s0  }
0x9: {  	[smem:$0x3FAD] =	sst s1  }
0xa: {  	[smem:$0x3FAE] =	sst s2  }
0xb: {  	[smem:$0x3FAF] =	sst s3  }
0xc: {  	[smem:$0x3FB0] =	sst s4  }
0xd: {  	[smem:$0x3FB1] =	sst s5  }
0xe: {  	[smem:$0x3FB2] =	sst s6  }
0xf: {  	[smem:$0x3FB3] =	sst s7  }
0x10: {  	[smem:$0x3FB4] =	sst s8  }
0x11: {  	[smem:$0x3FB5] =	sst s9;
	s0 =	simm.s32 @!p0 $0x0  }
0x12: {  	s1 =	sld [smem:$0x3F9B];
	s0 =	simm.s32 @p0 $0x1  }
0x13: {  	[smem:$0x3FB6] =	sst s0;
	s0 =	simm.s32 @!p1 $0x0  }
0x14: {  	s2 =	sld [smem:$0x3F9A];
	s0 =	simm.s32 @p1 $0x1  }
0x15: {  	[smem:$0x3FB7] =	sst s0;
	s0 =	simm.s32 @!p2 $0x0  }
0x16: {  	s3 =	sld [smem:$0x3FDB];
	s0 =	simm.s32 @p2 $0x1  }
0x17: {  	s4 =	simm.s32 $0x1BF5;
	[smem:$0x3FB9] =	sst s0  }
0x18: {  	s0 =	sld [smem:$0x3F9C];
	_ =	swait.ge [sflag:s4], $0x0  }
0x19: {  	s7 =	sld [smem:$0x3F9D]  }
0x1a: {  	s8 =	sadd.s32 $0xFFFFE003, lr  }
0x1b: {  	s9 =	sadd.s32 $0xFFFFFEF7, lr;
	s5 =	simm.s32 $0xFFFFFFFF;
	p2 =	slt.u32 s8, $0xFFFFF086  }
0x1c: {  	p1 =	slt.u32 s9, $0xF7A;
	s5 =	simm.s32 @!p2 $0x0  }
0x1d: {  	s5 =	simm.s32 @p1 $0x1;
	p0 =	seq.s32 s7, s2  }
0x1e: {  	s7 =	smul.u32 @!p0 $0xF7A, s2;
	p2 =	seq.s32 @!p0 s5, $0x0  }
0x1f: {  	s9 =	smul.u32 $0xF7A, s1;
	s8 =	simm.s32 @!p0 $0x1BF5;
	p2 =	por !p2, p0  }
0x20: {  	[sflag:s8] =	ssyncset.s32 @!p0 $0xFFFFF086;
	s6 =	sadd.s32 @!p0 s3, s7;
	s7 =	simm.s32 @!p0 $0x108  }
0x21: {  	s3 =	sadd.s32 s3, s9;
	s6 =	sadd.s32 @!p0 $0x88, s6;
	s7 =	simm.s32 @p2 $0x1082  }
0x22: {  	[simem:s7], [sflag:s8] =	dma.local @!p0 [hbm:s6], $0xF7A  }
0x23: {  	s9 =	sor.u32 $0xD0000000, s2;
	s6 =	simm.s32 $0x108;
	_ =	swait.ge @!p0 [sflag:s8], $0x0  }
0x24: {  	s3 =	sadd.s32 $0x88, s3;
	s6 =	simm.s32 @!p1 $0x1082;
	[sflag:s4] =	ssyncset.s32 $0xFFFFF086  }
0x25: {  	[simem:s6], [sflag:s4] =	dma.local [hbm:s3], $0xF7A  }
0x26: {  	[smem:$0x3F9D] =	sst s1;
	(tag) =	ssettag s2;
	_ =	strace s9  }
0x27: {  	s1 =	sld [smem:$0x3FAD]  }
0x28: {  	s2 =	sld [smem:$0x3FAE]  }
0x29: {  	s4 =	sld [smem:$0x3FB0]  }
0x2a: {  	p0 =	seq.s32 s5, $0x0;
	s5 =	sld [smem:$0x3FB1]  }
0x2b: {  	s6 =	sld [smem:$0x3FB2]  }
0x2c: {  	s7 =	sld [smem:$0x3FB3]  }
0x2d: {  	s3 =	simm.s32 $0x108;
	s8 =	sld [smem:$0x3FB4]  }
0x2e: {  	s3 =	simm.s32 @!p0 $0x1082;
	s9 =	sld [smem:$0x3FB5]  }
0x2f: {  	lr =	sadd.s32 s0, s3;
	s0 =	sld [smem:$0x3FAC]  }
0x30: {  	s3 =	sld [smem:$0x3FAF]  }
0x31: {  	[smem:$0x3FB8] =	sst s10  }
0x32: {  	s10 =	sld [smem:$0x3FB6];
	_ =	sdelay $0x3  }
0x33: {  	p0 =	seq.s32 s10, $0x1;
	s10 =	sld [smem:$0x3FB8];
	_ =	sdelay $0x3  }
0x34: {  	[smem:$0x3FB8] =	sst s10  }
0x35: {  	s10 =	sld [smem:$0x3FB7];
	_ =	sdelay $0x3  }
0x36: {  	p1 =	seq.s32 s10, $0x1;
	s10 =	sld [smem:$0x3FB8];
	_ =	sdelay $0x3  }
0x37: {  	[smem:$0x3FB8] =	sst s10  }
0x38: {  	s10 =	sld [smem:$0x3FB9]  }
0x39: {  	_ = 	snop;
	(pc) =	sbr.ind lr, $3  }
0x3a: {  	_ = 	snop  }
0x3b: {  	_ = 	snop  }
0x3c: {  	p2 =	seq.s32 s10, $0x1;
	s10 =	sld [smem:$0x3FB8]  }
0x3d: {  	_ =	shalt  }
0x3e: {  	_ =	shalt  }
0x3f: {  	_ =	shalt  }
0x40: {  	_ =	shalt  }
0x41: {  	_ =	shalt  }
0x42: {  	_ =	shalt  }
0x43: {  	_ =	shalt  }
0x44: {  	_ =	shalt  }
0x45: {  	_ =	shalt  }
0x46: {  	_ =	shalt  }
0x47: {  	_ =	shalt  }
0x48: {  	_ =	shalt  }
0x49: {  	_ =	shalt  }
0x4a: {  	_ =	shalt  }
0x4b: {  	_ =	shalt  }
0x4c: {  	_ =	shalt  }
0x4d: {  	_ =	shalt  }
0x4e: {  	_ =	shalt  }
0x4f: {  	_ =	shalt  }
0x50: {  	_ =	shalt  }
0x51: {  	_ =	shalt  }
0x52: {  	_ =	shalt  }
0x53: {  	_ =	shalt  }
0x54: {  	_ =	shalt  }
0x55: {  	_ =	shalt  }
0x56: {  	_ =	shalt  }
0x57: {  	_ =	shalt  }
0x58: {  	_ =	shalt  }
0x59: {  	_ =	shalt  }
0x5a: {  	_ =	shalt  }
0x5b: {  	_ =	shalt  }
0x5c: {  	_ =	shalt  }
0x5d: {  	_ =	shalt  }
0x5e: {  	_ =	shalt  }
0x5f: {  	_ =	shalt  }
0x60: {  	_ =	shalt  }
0x61: {  	_ =	shalt  }
0x62: {  	_ =	shalt  }
0x63: {  	_ =	shalt  }
0x64: {  	_ =	shalt  }
0x65: {  	_ =	shalt  }
0x66: {  	_ =	shalt  }
0x67: {  	_ =	shalt  }
0x68: {  	_ =	shalt  }
0x69: {  	_ =	shalt  }
0x6a: {  	_ =	shalt  }
0x6b: {  	_ =	shalt  }
0x6c: {  	_ =	shalt  }
0x6d: {  	_ =	shalt  }
0x6e: {  	_ =	shalt  }
0x6f: {  	_ =	shalt  }
0x70: {  	_ =	shalt  }
0x71: {  	_ =	shalt  }
0x72: {  	_ =	shalt  }
0x73: {  	_ =	shalt  }
0x74: {  	_ =	shalt  }
0x75: {  	_ =	shalt  }
0x76: {  	_ =	shalt  }
0x77: {  	_ =	shalt  }
0x78: {  	_ =	shalt  }
0x79: {  	_ =	shalt  }
0x7a: {  	_ =	shalt  }
0x7b: {  	_ =	shalt  }
0x7c: {  	_ =	shalt  }
0x7d: {  	_ =	shalt  }
0x7e: {  	_ =	shalt  }
0x7f: {  	_ =	shalt  }
0x80: {  	_ =	shalt  }
0x81: {  	_ =	shalt  }
0x82: {  	_ =	shalt  }
0x83: {  	_ =	shalt  }
0x84: {  	_ =	shalt  }
0x85: {  	_ =	shalt  }
0x86: {  	_ =	shalt  }
0x87: {  	_ =	shalt  }
.Lfunc_end0:
.L_simem_size_0:
called_computation_lowered:
.L_overlay_start_0:
0x88: {  	s2 =	sld [smem:$0x3FD9]  }
0x89: {  	s3 =	sld [smem:$0x3FFE];
	_ =	sdelay $0x1  }
0x8a: {  	s1 =	srdreg.scid  }
0x8b: {  	s0 =	sand.u32 $0x1, s1  }
0x8c: {  	s16 =	sshll.u32 s0, $0xA;
	s2 =	sadd.s32 s3, s2  }
0x8d: {  	s2 =	sadd.s32 s2, s16  }
0x8e: {  	[smem:$0x3FC4] =	sst s2  }
0x8f: {  	_ = 	snop  }
0x90: {  	(tm) =	ssettm $0x1  }
0x91: {  	s17 =	sld [smem:$0x3FFB];
	_ =	sdelay $0x3  }
0x92: {  	_ =	strace s17  }
0x93: {  	s2 =	sld [smem:$0x3FFC];
	_ =	sdelay $0x3  }
0x94: {  	_ =	strace s2  }
0x95: {  	s2 =	sld [smem:$0x3FFD];
	_ =	sdelay $0x3  }
0x96: {  	_ =	strace s2  }
0x97: {  	_ =	strace $0x8FFFFFFF  }
0x98: {  	s18 =	sld [smem:$0x3FDB];
	_ =	sdelay $0x1  }
0x99: {  	s19 =	simm.s32 $_scs_section_size  }
0x9a: {  	s4 =	simm.s32 $_size__tile_overlayer_lowered;
	s5 =	simm.s32 $_tile_overlayer_lowered  }
0x9b: {  	s22 =	simm.s32 $0x1BFF;
	s21 =	sshll.u32 s5, $0x1;
	s2 =	sadd.s32 s19, s18  }
0x9c: {  	s6 =	simm.s32 $0x0;
	s20 =	sshll.u32 s4, $0x1;
	s4 =	sadd.s32 s21, s2  }
0x9d: {  	[timem:s6], [sflag:s22] =	dma.local [hbm:s4], s20  }
0x9e: {  	_ =	swait.ge [sflag:s22], s20  }
0x9f: {  	s3 =	ssub.s32 $0x0, s20;
	[sflag:s22] =	ssyncset.done $0x0  }
0xa0: {  	[sflag:s22] =	ssyncadd.s32 s3;
	_ =	sdelay $0x1  }
0xa1: {  	s23 =	simm.s32 $0x1B8B  }
0xa2: {  	_ =	swait.ge [sflag:s23], $0x1  }
0xa3: {  	[sflag:s23] =	ssyncset.done $0x0  }
0xa4: {  	s25 =	simm.s32 $0x1B8E;
	s24 =	sld [smem:$0x3FFE];
	[sflag:s23] =	ssyncadd.s32 $0xFFFFFFFF  }
0xa5: {  	s26 =	simm.s32 $execute0_lowered;
	[smem:$0x3FD2] =	sst s25  }
0xa6: {  	s4 =	sshll.u32 s26, $0x1;
	_ =	strace $0x80000046;
	[dreg:$0x1] =	wrdreg $0xFFFFFFFF  }
0xa7: {  	s28 =	simm.s32 $_size_execute0_lowered;
	s2 =	sadd.s32 s2, s4;
	[dreg:$0x0] =	wrdreg $0x0  }
0xa8: {  	s4 =	sshll.u32 s28, $0x1;
	[dreg:$0x2] =	wrdreg s2  }
0xa9: {  	[dreg:$0x3] =	wrdreg s4  }
0xaa: {  	[dreg:$0x4] =	wrdreg $0xC0  }
0xab: {  	_ =	task [dreg:s6], $0x5FFFF  }
0xac: {  	[dreg:$0x1] =	wrdreg $0xFFFFFFFF  }
0xad: {  	[dreg:$0x0] =	wrdreg $0x60  }
0xae: {  	[dreg:$0x2] =	wrdreg s24  }
0xaf: {  	[dreg:$0x3] =	wrdreg $0x9  }
0xb0: {  	_ =	task.clear_ibuf [dreg:s6], $0x4FFFF;
	_ =	strace $0x90000046  }
0xb1: {  	s29 =	simm.s32 $0x9;
	_ =	strace $0x80000048  }
0xb2: {  	_ =	swait.ge [sflag:s29], $0x1  }
0xb3: {  	[sflag:s29] =	ssyncadd.s32 $0xFFFFFFFF  }
0xb4: {  	_ =	strace $0x90000048  }
0xb5: {  	_ =	sfence  }
0xb6: {  	s30 =	sld [smem:$0x0];
	_ =	sdelay $0x2  }
0xb7: {  	s31 =	sshll.u32 s1, $0xD;
	s1 =	sshrl.u32 s1, $0x2  }
0xb8: {  	s3 =	sand.u32 $0x4000, s31;
	s1 =	sadd.s32 s1, s30  }
0xb9: {  	s0 =	sor.u32 s3, s0;
	s1 =	sshll.u32 s1, $0x11  }
0xba: {  	s0 =	sor.u32 s1, s0  }
0xbb: {  	s0 =	sadd.s32 $0x8F2B, s0  }
0xbc: {  	[sflag:s0] =	ssyncadd.remote.s32 $0x1  }
0xbd: {  	_ =	sfence.sel $0xFFFF  }
0xbe: {  	[dreg:$0x0] =	wrdreg $0xFFFFFFFF;
	(pc) =	sbr.abs _section_cstart, $3  }
0xbf: {  	[dreg:$0x1] =	wrdreg $0xFFFFFFFF  }
0xc0: {  	_ =	task.clear_ibuf [dreg:s6], $0x2FFFF;
	_ =	strace $0x9FFFFFFF  }
0xc1: {  	(tm) =	ssettm $0x7FFFFFFF  }
tec
execute0_lowered:
.L_overlay_start_1:
0x0: {  	(tag) =	ssettag $0x1  }
0x1: {  	s3 =	rddreg [dreg:$0x0]  }
0x2: {  	s0 =	rddreg [dreg:$0x1];
	s4 =	srdreg.scid  }
0x3: {  	s1 =	stileid.u32;
	s2 =	simm.s32 $0x0;
	s8 =	simm.s32 $0x2000  }
0x4: {  	s9 =	simm.s32 $0xE000;
	s10 =	simm.s32 $0x1A000;
	s11 =	simm.s32 $0x1  }
0x5: {  	s12 =	simm.s32 $0x2;
	s4 =	sand.u32 $0x1, s4;
	s5 =	sshll.u32 s1, $0x1  }
0x6: {  	s13 =	simm.s32 $0x3;
	s14 =	simm.s32 $0x0;
	s5 =	sor.u32 s4, s5  }
0x7: {  	[smem:$0x7FF] =	sst s2;
	s4 =	ssub.s32 $0x2, s4;
	s6 =	sshll.u32 s5, $0xA  }
0x8: {  	_ =	strace $0x80000047;
	s7 =	sshrl.u32 s4, $0x1;
	s6 =	sadd.s32 s6, s3  }
0x9: {  	s3 =	sadd.s32 $0x8E00, s3;
	s7 =	ssub.s32 s4, s7;
	s4 =	sshll.u32 s5, $0x2  }
0xa: {  	v0 =	vimm.f32 $0.0e+00;
	v1 =	vimm.f32 $1.000000000e+00;
	s5 =	sadd.s32 $0xE00, s6;
	s6 =	smax.u32 s7, $0x1;
	s7 =	simm.s32 $0x4  }
.LBB2_1:
0xb: {  	[tilespmem:s2], [sflag:$0x4] =	stream.linear.gather [hbm4b:s5+s2], $0x2000, $0x38;
	[tilespmem:$0x1D800] =	vst v63  }
0xc: {  	_ =	swait.ge [sflag:s7], $0x2000  }
0xd: {  	s15 =	sand.u32 $0x70, s2;
	s16 =	sand.u32 $0xFC00, s2;
	[sflag:s7] =	ssyncset.done $0x0  }
0xe: {  	s16 =	sor.u32 s15, s16;
	[sflag:s7] =	ssyncadd.s32 $0xFFFFE000  }
0xf: {  	[tilespmem:s16+$0x2300] =	vst v0  }
0x10: {  	[tilespmem:s16+$0xE280] =	vst v0  }
0x11: {  	[tilespmem:s16+$0x2280] =	vst v0  }
0x12: {  	[tilespmem:s16+$0xE200] =	vst v0  }
0x13: {  	[tilespmem:s16+$0x2200] =	vst v0  }
0x14: {  	[tilespmem:s16+$0xE180] =	vst v0  }
0x15: {  	[tilespmem:s16+$0x2180] =	vst v0  }
0x16: {  	[tilespmem:s16+$0xE100] =	vst v0  }
0x17: {  	[tilespmem:s16+$0x2100] =	vst v0  }
0x18: {  	s19 =	sand.u32 $0x7, s2;
	[tilespmem:s16+$0xE080] =	vst v0  }
0x19: {  	s17 =	simm.s32 $0x10;
	s18 =	simm.s32 $0x0;
	s15 =	simm.s32 $0x0;
	[tilespmem:s16+$0x2080] =	vst v0  }
.LBB2_2:
0x1a: {  	p0 =	sne.s32 s17, $0x17F0;
	s19 =	sshll.u32 s19, $0x4;
	[tilespmem:s16+$0xE000] =	vst v0  }
0x1b: {  	s19 =	sadd.s32 s19, s15;
	[tilespmem:s16+$0x2000] =	vst v0  }
0x1c: {  	s15 =	sadd.s32 $0x80, s15;
	[tilespmem:s16+$0xE300] =	vst v0;
	s19 =	sor.u32 $0x380, s19  }
0x1d: {  	s16 =	sand.u32 $0x70, s17;
	s20 =	sand.u32 $0xFC00, s15;
	[tilespmem:s19+$0xE000] =	vst v0  }
0x1e: {  	s16 =	sor.u32 s16, s20;
	[tilespmem:s19+$0x2000] =	vst v0  }
0x1f: {  	[tilespmem:s16+$0x2300] =	vst v0  }
0x20: {  	[tilespmem:s16+$0xE280] =	vst v0  }
0x21: {  	[tilespmem:s16+$0x2280] =	vst v0  }
0x22: {  	[tilespmem:s16+$0xE200] =	vst v0  }
0x23: {  	[tilespmem:s16+$0x2200] =	vst v0  }
0x24: {  	[tilespmem:s16+$0xE180] =	vst v0  }
.Ltmp0:
0x25: {  	[tilespmem:s16+$0x2180] =	vst v0;
	(pc) =	sbr.rel @p0 .LBB2_2-.Ltmp0, $4  }
0x26: {  	[tilespmem:s16+$0xE100] =	vst v0  }
0x27: {  	[tilespmem:s16+$0x2100] =	vst v0  }
0x28: {  	s18 =	sadd.s32 $0x1, s18;
	[tilespmem:s16+$0xE080] =	vst v0  }
0x29: {  	s17 =	sadd.s32 $0x10, s17;
	s19 =	sand.u32 $0x7, s18;
	[tilespmem:s16+$0x2080] =	vst v0  }
0x2a: {  	s17 =	sshll.u32 s19, $0x4;
	[tilespmem:s16+$0xE000] =	vst v0  }
0x2b: {  	[tilespmem:s16+$0x2000] =	vst v0;
	s17 =	sadd.s32 s17, s15;
	s15 =	simm.s32 $0x0  }
0x2c: {  	[tilespmem:s16+$0xE300] =	vst v0;
	s17 =	sor.u32 $0x380, s17;
	s31 =	sand.u32 $0x70, s15;
	s18 =	sand.u32 $0x3C00, s15  }
0x2d: {  	[tilespmem:s17+$0xE000] =	vst v0;
	s16 =	sor.u32 s31, s18  }
0x2e: {  	[tilespmem:s17+$0x2000] =	vst v0;
	s17 =	sadd.s32 $0x1A000, s16  }
0x2f: {  	[tilespmem:s17+$0x80] =	vst v0  }
0x30: {  	[tilespmem:s17+$0x100] =	vst v0  }
0x31: {  	s19 =	simm.s32 $0x0;
	s21 =	simm.s32 $0x0;
	[tilespmem:s17+$0x180] =	vst v0  }
0x32: {  	s20 =	simm.s32 $0x0;
	s22 =	sand.u32 $0x7, s15;
	s18 =	simm.s32 $0x10;
	[tilespmem:s17+$0x200] =	vst v0  }
.LBB2_4:
0x33: {  	p0 =	sne.s32 s18, $0x690;
	s22 =	sshll.u32 s22, $0x4;
	[tilespmem:s17+$0x280] =	vst v0;
	s19 =	sadd.s32 $0x80, s19  }
0x34: {  	s23 =	sand.u32 $0x70, s18;
	s24 =	sand.u32 $0x3C00, s19;
	s21 =	sadd.s32 s22, s21;
	[tilespmem:s17+$0x300] =	vst v0  }
0x35: {  	[tilespmem:s16+$0x1A000] =	vst v0;
	s16 =	sor.u32 s23, s24;
	s22 =	sor.u32 $0x380, s21;
	s21 =	smov.u32 s19  }
.Ltmp1:
0x36: {  	s17 =	sadd.s32 $0x1A000, s16;
	[tilespmem:s22+$0x1A000] =	vst v0;
	(pc) =	sbr.rel @p0 .LBB2_4-.Ltmp1, $4  }
0x37: {  	[tilespmem:s17+$0x80] =	vst v0  }
0x38: {  	[tilespmem:s17+$0x100] =	vst v0  }
0x39: {  	s20 =	sadd.s32 $0x1, s20;
	[tilespmem:s17+$0x180] =	vst v0  }
0x3a: {  	s18 =	sadd.s32 $0x10, s18;
	s22 =	sand.u32 $0x7, s20;
	[tilespmem:s17+$0x200] =	vst v0  }
0x3b: {  	s18 =	sshll.u32 s22, $0x4;
	[tilespmem:s17+$0x280] =	vst v0  }
0x3c: {  	[tilespmem:s17+$0x300] =	vst v0;
	s18 =	sadd.s32 s18, s21  }
0x3d: {  	[tilespmem:s16+$0x1A000] =	vst v0;
	s31 =	sor.u32 $0x380, s18  }
0x3e: {  	s16 =	simm.s32 $0xFFFFF800;
	s17 =	simm.s32 $0x0;
	[tilespmem:s31+$0x1A000] =	vst v0  }
.LBB2_6:
0x3f: {  	s18 =	sadd.s32 s4, s17  }
0x40: {  	s19 =	smul.u32 $0xC3800, s18;
	_ =	sdelay $0x1  }
0x41: {  	s18 =	sshrl.u32 s19, $0x3  }
0x42: {  	s20 =	simm.s32 $0x0;
	s18 =	sadd.s32 s3, s18  }
.LBB2_7:
0x43: {  	s21 =	sor.u32 s17, s20  }
0x44: {  	p0 =	seq.s32 s21, $0x0  }
.Ltmp2:
0x45: {  	_ = 	snop;
	(pc) =	sbr.rel @p0 .LBB2_10-.Ltmp2, $2  }
0x46: {  	_ =	sdelay $0x2  }
0x47: {  	s21 =	sshll.u32 s20, $0x1  }
0x48: {  	p1 =	seq.s32 s20, $0x0;
	s22 =	simm.s32 $0xE  }
0x49: {  	s23 =	simm.s32 $0x1;
	s22 =	simm.s32 @!p1 $0xFFFFFFFE  }
0x4a: {  	s23 =	simm.s32 @!p1 $0x0;
	s22 =	sadd.s32 s21, s22  }
0x4b: {  	_ =	swait.ge [sflag:s11], $0xC000;
	s23 =	ssub.s32 s17, s23;
	s22 =	smul.u32 $0x1800, s22  }
0x4c: {  	[sflag:s11] =	ssyncset.done $0x0;
	s23 =	sshll.u32 s23, $0xD  }
0x4d: {  	[sflag:s11] =	ssyncadd.s32 $0xFFFF4000;
	v2 =	vmov s22;
	s22 =	sshra.s32 s23, $0x2;
	s23 =	simm.s32 $0x0  }
.LBB2_9:
0x4e: {  	v3 =	vld [tilespmem:s22+$0x0];
	_ =	sdelay $0x3  }
0x4f: {  	v4 =	vmov s23  }
0x50: {  	v4 =	vshll.u32 v4, $0x7;
	v5 =	vsub.s32 v3, v2  }
0x51: {  	v4 =	vand.u32 $0x380, v4;
	v6 =	vshll.u32 v5, $0x3  }
0x52: {  	v4 =	vbroadcast v4, $0x0;
	v3 =	vand.u32 $0x7F, v3;
	v6 =	vand.u32 $0xFFFFFC00, v6  }
0x53: {  	vm0 =	vlt.u32 v5, $0x1800;
	v3 =	vor.u32 v6, v3  }
0x54: {  	v3 =	vor.u32 v4, v3;
	_ =	sdelay $0x4  }
0x55: {  	[tilespmem:v3+s8+$0x0] =	vst.idx.msk vm0, v0  }
0x56: {  	v3 =	vld [tilespmem:s22+$0x10];
	_ =	sdelay $0x4  }
0x57: {  	v40 =	vsub.s32 v3, v2  }
0x58: {  	v41 =	vshll.u32 v40, $0x3  }
0x59: {  	v3 =	vand.u32 $0x7F, v3;
	v6 =	vand.u32 $0xFFFFFC00, v41  }
0x5a: {  	vm4 =	vlt.u32 v40, $0x1800;
	v3 =	vor.u32 v6, v3  }
0x5b: {  	v3 =	vor.u32 v4, v3;
	_ =	sdelay $0x4  }
0x5c: {  	[tilespmem:v3+s8+$0x0] =	vst.idx.msk vm4, v0  }
0x5d: {  	v3 =	vld [tilespmem:s22+$0x20];
	_ =	sdelay $0x4  }
0x5e: {  	v42 =	vsub.s32 v3, v2  }
0x5f: {  	v43 =	vshll.u32 v42, $0x3  }
0x60: {  	v3 =	vand.u32 $0x7F, v3;
	v6 =	vand.u32 $0xFFFFFC00, v43  }
0x61: {  	vm5 =	vlt.u32 v42, $0x1800;
	v3 =	vor.u32 v6, v3  }
0x62: {  	v3 =	vor.u32 v4, v3;
	_ =	sdelay $0x4  }
0x63: {  	[tilespmem:v3+s8+$0x0] =	vst.idx.msk vm5, v0  }
0x64: {  	v3 =	vld [tilespmem:s22+$0x30];
	_ =	sdelay $0x4  }
0x65: {  	v44 =	vsub.s32 v3, v2  }
0x66: {  	v45 =	vshll.u32 v44, $0x3  }
0x67: {  	v3 =	vand.u32 $0x7F, v3;
	v6 =	vand.u32 $0xFFFFFC00, v45  }
0x68: {  	vm6 =	vlt.u32 v44, $0x1800;
	v3 =	vor.u32 v6, v3  }
0x69: {  	v3 =	vor.u32 v4, v3;
	_ =	sdelay $0x4  }
0x6a: {  	[tilespmem:v3+s8+$0x0] =	vst.idx.msk vm6, v0  }
0x6b: {  	v3 =	vld [tilespmem:s22+$0x40];
	_ =	sdelay $0x4  }
0x6c: {  	v46 =	vsub.s32 v3, v2  }
0x6d: {  	v47 =	vshll.u32 v46, $0x3  }
0x6e: {  	v3 =	vand.u32 $0x7F, v3;
	v6 =	vand.u32 $0xFFFFFC00, v47  }
0x6f: {  	vm7 =	vlt.u32 v46, $0x1800;
	v3 =	vor.u32 v6, v3  }
0x70: {  	v3 =	vor.u32 v4, v3;
	_ =	sdelay $0x4  }
0x71: {  	[tilespmem:v3+s8+$0x0] =	vst.idx.msk vm7, v0  }
0x72: {  	v3 =	vld [tilespmem:s22+$0x50];
	_ =	sdelay $0x4  }
0x73: {  	v48 =	vsub.s32 v3, v2  }
0x74: {  	v49 =	vshll.u32 v48, $0x3  }
0x75: {  	v3 =	vand.u32 $0x7F, v3;
	v6 =	vand.u32 $0xFFFFFC00, v49  }
0x76: {  	vm8 =	vlt.u32 v48, $0x1800;
	v3 =	vor.u32 v6, v3  }
0x77: {  	v3 =	vor.u32 v4, v3;
	_ =	sdelay $0x4  }
0x78: {  	[tilespmem:v3+s8+$0x0] =	vst.idx.msk vm8, v0  }
0x79: {  	v3 =	vld [tilespmem:s22+$0x60];
	_ =	sdelay $0x4  }
0x7a: {  	v50 =	vsub.s32 v3, v2  }
0x7b: {  	v51 =	vshll.u32 v50, $0x3  }
0x7c: {  	v3 =	vand.u32 $0x7F, v3;
	v6 =	vand.u32 $0xFFFFFC00, v51  }
0x7d: {  	vm9 =	vlt.u32 v50, $0x1800;
	v3 =	vor.u32 v6, v3  }
0x7e: {  	v3 =	vor.u32 v4, v3;
	_ =	sdelay $0x4  }
0x7f: {  	[tilespmem:v3+s8+$0x0] =	vst.idx.msk vm9, v0  }
0x80: {  	v3 =	vld [tilespmem:s22+$0x70];
	_ =	sdelay $0x4  }
0x81: {  	v52 =	vsub.s32 v3, v2  }
0x82: {  	v53 =	vshll.u32 v52, $0x3  }
0x83: {  	v3 =	vand.u32 $0x7F, v3;
	v6 =	vand.u32 $0xFFFFFC00, v53  }
0x84: {  	vm10 =	vlt.u32 v52, $0x1800;
	v3 =	vor.u32 v6, v3  }
0x85: {  	v3 =	vor.u32 v4, v3;
	_ =	sdelay $0x4  }
0x86: {  	[tilespmem:v3+s8+$0x0] =	vst.idx.msk vm10, v0  }
0x87: {  	v3 =	vld [tilespmem:s22+$0x400];
	_ =	sdelay $0x4  }
0x88: {  	v54 =	vsub.s32 v3, v2  }
0x89: {  	v55 =	vshll.u32 v54, $0x3  }
0x8a: {  	v3 =	vand.u32 $0x7F, v3;
	v6 =	vand.u32 $0xFFFFFC00, v55  }
0x8b: {  	vm11 =	vlt.u32 v54, $0x1800;
	v3 =	vor.u32 v6, v3  }
0x8c: {  	v3 =	vor.u32 v4, v3;
	_ =	sdelay $0x4  }
0x8d: {  	[tilespmem:v3+s8+$0x0] =	vst.idx.msk vm11, v0  }
0x8e: {  	v3 =	vld [tilespmem:s22+$0x410];
	_ =	sdelay $0x4  }
0x8f: {  	v56 =	vsub.s32 v3, v2  }
0x90: {  	v57 =	vshll.u32 v56, $0x3  }
0x91: {  	v3 =	vand.u32 $0x7F, v3;
	v6 =	vand.u32 $0xFFFFFC00, v57  }
0x92: {  	vm12 =	vlt.u32 v56, $0x1800;
	v3 =	vor.u32 v6, v3  }
0x93: {  	v3 =	vor.u32 v4, v3;
	_ =	sdelay $0x4  }
0x94: {  	[tilespmem:v3+s8+$0x0] =	vst.idx.msk vm12, v0  }
0x95: {  	v3 =	vld [tilespmem:s22+$0x420];
	_ =	sdelay $0x4  }
0x96: {  	v58 =	vsub.s32 v3, v2  }
0x97: {  	v59 =	vshll.u32 v58, $0x3  }
0x98: {  	v3 =	vand.u32 $0x7F, v3;
	v6 =	vand.u32 $0xFFFFFC00, v59  }
0x99: {  	vm13 =	vlt.u32 v58, $0x1800;
	v3 =	vor.u32 v6, v3  }
0x9a: {  	v3 =	vor.u32 v4, v3;
	_ =	sdelay $0x4  }
0x9b: {  	[tilespmem:v3+s8+$0x0] =	vst.idx.msk vm13, v0  }
0x9c: {  	v3 =	vld [tilespmem:s22+$0x430];
	_ =	sdelay $0x4  }
0x9d: {  	v60 =	vsub.s32 v3, v2  }
0x9e: {  	v61 =	vshll.u32 v60, $0x3  }
0x9f: {  	v3 =	vand.u32 $0x7F, v3;
	v6 =	vand.u32 $0xFFFFFC00, v61  }
0xa0: {  	vm14 =	vlt.u32 v60, $0x1800;
	v3 =	vor.u32 v6, v3  }
0xa1: {  	v3 =	vor.u32 v4, v3;
	_ =	sdelay $0x4  }
0xa2: {  	[tilespmem:v3+s8+$0x0] =	vst.idx.msk vm14, v0  }
0xa3: {  	v3 =	vld [tilespmem:s22+$0x440];
	_ =	sdelay $0x4  }
0xa4: {  	v62 =	vsub.s32 v3, v2  }
0xa5: {  	v63 =	vshll.u32 v62, $0x3  }
0xa6: {  	v3 =	vand.u32 $0x7F, v3;
	v6 =	vand.u32 $0xFFFFFC00, v63  }
0xa7: {  	vm15 =	vlt.u32 v62, $0x1800;
	v3 =	vor.u32 v6, v3  }
0xa8: {  	p1 =	sne.s32 s23, $0x7;
	v3 =	vor.u32 v4, v3  }
.Ltmp3:
0xa9: {  	_ = 	snop;
	(pc) =	sbr.rel @p1 .LBB2_9-.Ltmp3, $2  }
0xaa: {  	_ =	sdelay $0x2  }
0xab: {  	s23 =	sadd.s32 $0x1, s23;
	s22 =	sadd.s32 $0x80, s22;
	[tilespmem:v3+s8+$0x0] =	vst.idx.msk vm15, v0  }
.LBB2_10:
0xac: {  	s22 =	smul.u32 $0x3000, s20;
	_ =	sdelay $0x1  }
0xad: {  	s23 =	simm.s32 $0x0;
	s24 =	smov.u32 s15;
	v2 =	vmov s22  }
.LBB2_11:
0xae: {  	v3 =	vld [tilespmem:s24+$0x0];
	_ =	sdelay $0x3  }
0xaf: {  	v4 =	vmov s23  }
0xb0: {  	v4 =	vshll.u32 v4, $0x7;
	v5 =	vsub.s32 v3, v2  }
0xb1: {  	v4 =	vand.u32 $0x380, v4;
	v6 =	vshll.u32 v5, $0x3  }
0xb2: {  	v4 =	vbroadcast v4, $0x0;
	v3 =	vand.u32 $0x7F, v3;
	v6 =	vand.u32 $0xFFFFFC00, v6  }
0xb3: {  	vm0 =	vlt.u32 v5, $0x1800;
	v3 =	vor.u32 v6, v3  }
0xb4: {  	v3 =	vor.u32 v4, v3;
	_ =	sdelay $0x4  }
0xb5: {  	[tilespmem:v3+s8+$0x0] =	vst.idx.msk vm0, v1  }
0xb6: {  	v3 =	vld [tilespmem:s24+$0x10];
	_ =	sdelay $0x4  }
0xb7: {  	v40 =	vsub.s32 v3, v2  }
0xb8: {  	v41 =	vshll.u32 v40, $0x3  }
0xb9: {  	v3 =	vand.u32 $0x7F, v3;
	v6 =	vand.u32 $0xFFFFFC00, v41  }
0xba: {  	vm4 =	vlt.u32 v40, $0x1800;
	v3 =	vor.u32 v6, v3  }
0xbb: {  	v3 =	vor.u32 v4, v3;
	_ =	sdelay $0x4  }
0xbc: {  	[tilespmem:v3+s8+$0x0] =	vst.idx.msk vm4, v1  }
0xbd: {  	v3 =	vld [tilespmem:s24+$0x20];
	_ =	sdelay $0x4  }
0xbe: {  	v42 =	vsub.s32 v3, v2  }
0xbf: {  	v43 =	vshll.u32 v42, $0x3  }
0xc0: {  	v3 =	vand.u32 $0x7F, v3;
	v6 =	vand.u32 $0xFFFFFC00, v43  }
0xc1: {  	vm5 =	vlt.u32 v42, $0x1800;
	v3 =	vor.u32 v6, v3  }
0xc2: {  	v3 =	vor.u32 v4, v3;
	_ =	sdelay $0x4  }
0xc3: {  	[tilespmem:v3+s8+$0x0] =	vst.idx.msk vm5, v1  }
0xc4: {  	v3 =	vld [tilespmem:s24+$0x30];
	_ =	sdelay $0x4  }
0xc5: {  	v44 =	vsub.s32 v3, v2  }
0xc6: {  	v45 =	vshll.u32 v44, $0x3  }
0xc7: {  	v3 =	vand.u32 $0x7F, v3;
	v6 =	vand.u32 $0xFFFFFC00, v45  }
0xc8: {  	vm6 =	vlt.u32 v44, $0x1800;
	v3 =	vor.u32 v6, v3  }
0xc9: {  	v3 =	vor.u32 v4, v3;
	_ =	sdelay $0x4  }
0xca: {  	[tilespmem:v3+s8+$0x0] =	vst.idx.msk vm6, v1  }
0xcb: {  	v3 =	vld [tilespmem:s24+$0x40];
	_ =	sdelay $0x4  }
0xcc: {  	v46 =	vsub.s32 v3, v2  }
0xcd: {  	v47 =	vshll.u32 v46, $0x3  }
0xce: {  	v3 =	vand.u32 $0x7F, v3;
	v6 =	vand.u32 $0xFFFFFC00, v47  }
0xcf: {  	vm7 =	vlt.u32 v46, $0x1800;
	v3 =	vor.u32 v6, v3  }
0xd0: {  	v3 =	vor.u32 v4, v3;
	_ =	sdelay $0x4  }
0xd1: {  	[tilespmem:v3+s8+$0x0] =	vst.idx.msk vm7, v1  }
0xd2: {  	v3 =	vld [tilespmem:s24+$0x50];
	_ =	sdelay $0x4  }
0xd3: {  	v48 =	vsub.s32 v3, v2  }
0xd4: {  	v49 =	vshll.u32 v48, $0x3  }
0xd5: {  	v3 =	vand.u32 $0x7F, v3;
	v6 =	vand.u32 $0xFFFFFC00, v49  }
0xd6: {  	vm8 =	vlt.u32 v48, $0x1800;
	v3 =	vor.u32 v6, v3  }
0xd7: {  	v3 =	vor.u32 v4, v3;
	_ =	sdelay $0x4  }
0xd8: {  	[tilespmem:v3+s8+$0x0] =	vst.idx.msk vm8, v1  }
0xd9: {  	v3 =	vld [tilespmem:s24+$0x60];
	_ =	sdelay $0x4  }
0xda: {  	v50 =	vsub.s32 v3, v2  }
0xdb: {  	v51 =	vshll.u32 v50, $0x3  }
0xdc: {  	v3 =	vand.u32 $0x7F, v3;
	v6 =	vand.u32 $0xFFFFFC00, v51  }
0xdd: {  	vm9 =	vlt.u32 v50, $0x1800;
	v3 =	vor.u32 v6, v3  }
0xde: {  	v3 =	vor.u32 v4, v3;
	_ =	sdelay $0x4  }
0xdf: {  	[tilespmem:v3+s8+$0x0] =	vst.idx.msk vm9, v1  }
0xe0: {  	v3 =	vld [tilespmem:s24+$0x70];
	_ =	sdelay $0x4  }
0xe1: {  	v52 =	vsub.s32 v3, v2  }
0xe2: {  	v53 =	vshll.u32 v52, $0x3  }
0xe3: {  	v3 =	vand.u32 $0x7F, v3;
	v6 =	vand.u32 $0xFFFFFC00, v53  }
0xe4: {  	vm10 =	vlt.u32 v52, $0x1800;
	v3 =	vor.u32 v6, v3  }
0xe5: {  	v3 =	vor.u32 v4, v3;
	_ =	sdelay $0x4  }
0xe6: {  	[tilespmem:v3+s8+$0x0] =	vst.idx.msk vm10, v1  }
0xe7: {  	v3 =	vld [tilespmem:s24+$0x400];
	_ =	sdelay $0x4  }
0xe8: {  	v54 =	vsub.s32 v3, v2  }
0xe9: {  	v55 =	vshll.u32 v54, $0x3  }
0xea: {  	v3 =	vand.u32 $0x7F, v3;
	v6 =	vand.u32 $0xFFFFFC00, v55  }
0xeb: {  	vm11 =	vlt.u32 v54, $0x1800;
	v3 =	vor.u32 v6, v3  }
0xec: {  	v3 =	vor.u32 v4, v3;
	_ =	sdelay $0x4  }
0xed: {  	[tilespmem:v3+s8+$0x0] =	vst.idx.msk vm11, v1  }
0xee: {  	v3 =	vld [tilespmem:s24+$0x410];
	_ =	sdelay $0x4  }
0xef: {  	v56 =	vsub.s32 v3, v2  }
0xf0: {  	v57 =	vshll.u32 v56, $0x3  }
0xf1: {  	v3 =	vand.u32 $0x7F, v3;
	v6 =	vand.u32 $0xFFFFFC00, v57  }
0xf2: {  	vm12 =	vlt.u32 v56, $0x1800;
	v3 =	vor.u32 v6, v3  }
0xf3: {  	v3 =	vor.u32 v4, v3;
	_ =	sdelay $0x4  }
0xf4: {  	[tilespmem:v3+s8+$0x0] =	vst.idx.msk vm12, v1  }
0xf5: {  	v3 =	vld [tilespmem:s24+$0x420];
	_ =	sdelay $0x4  }
0xf6: {  	v58 =	vsub.s32 v3, v2  }
0xf7: {  	v59 =	vshll.u32 v58, $0x3  }
0xf8: {  	v3 =	vand.u32 $0x7F, v3;
	v6 =	vand.u32 $0xFFFFFC00, v59  }
0xf9: {  	vm13 =	vlt.u32 v58, $0x1800;
	v3 =	vor.u32 v6, v3  }
0xfa: {  	v3 =	vor.u32 v4, v3;
	_ =	sdelay $0x4  }
0xfb: {  	[tilespmem:v3+s8+$0x0] =	vst.idx.msk vm13, v1  }
0xfc: {  	v3 =	vld [tilespmem:s24+$0x430];
	_ =	sdelay $0x4  }
0xfd: {  	v60 =	vsub.s32 v3, v2  }
0xfe: {  	v61 =	vshll.u32 v60, $0x3  }
0xff: {  	v3 =	vand.u32 $0x7F, v3;
	v6 =	vand.u32 $0xFFFFFC00, v61  }
0x100: {  	vm14 =	vlt.u32 v60, $0x1800;
	v3 =	vor.u32 v6, v3  }
0x101: {  	v3 =	vor.u32 v4, v3;
	_ =	sdelay $0x4  }
0x102: {  	[tilespmem:v3+s8+$0x0] =	vst.idx.msk vm14, v1  }
0x103: {  	v3 =	vld [tilespmem:s24+$0x440];
	_ =	sdelay $0x4  }
0x104: {  	v62 =	vsub.s32 v3, v2  }
0x105: {  	v63 =	vshll.u32 v62, $0x3  }
0x106: {  	v3 =	vand.u32 $0x7F, v3;
	v6 =	vand.u32 $0xFFFFFC00, v63  }
0x107: {  	vm15 =	vlt.u32 v62, $0x1800;
	v3 =	vor.u32 v6, v3  }
0x108: {  	p1 =	sne.s32 s23, $0x7;
	v3 =	vor.u32 v4, v3  }
.Ltmp4:
0x109: {  	_ = 	snop;
	(pc) =	sbr.rel @p1 .LBB2_11-.Ltmp4, $2  }
0x10a: {  	_ =	sdelay $0x2  }
0x10b: {  	s23 =	sadd.s32 $0x1, s23;
	s24 =	sadd.s32 $0x80, s24;
	[tilespmem:v3+s8+$0x0] =	vst.idx.msk vm15, v1  }
0x10c: {  	s23 =	smul.u32 $0x18000, s20  }
.Ltmp5:
0x10d: {  	_ = 	snop;
	(pc) =	sbr.rel @p0 .LBB2_15-.Ltmp5, $4  }
0x10e: {  	s23 =	sadd.s32 s19, s23  }
0x10f: {  	s23 =	sshrl.u32 s23, $0x3  }
0x110: {  	s23 =	sadd.s32 s3, s23  }
0x111: {  	[hbm4b:s23+s2] =	stream.linear.scatter [tilespmem:s8], [sflag:$0x1], $0xC000, $0x38;
	[tilespmem:$0x1D800] =	vst v63  }
0x112: {  	p0 =	seq.s32 s20, $0x0;
	s23 =	simm.s32 $0xF  }
0x113: {  	s24 =	simm.s32 $0x1;
	s23 =	simm.s32 @!p0 $0xFFFFFFFF  }
0x114: {  	s24 =	simm.s32 @!p0 $0x0;
	s21 =	sadd.s32 s21, s23  }
0x115: {  	_ =	swait.ge [sflag:s12], $0xC000;
	s31 =	ssub.s32 s17, s24;
	s21 =	smul.u32 $0x1800, s21  }
0x116: {  	[sflag:s12] =	ssyncset.done $0x0;
	s23 =	sshll.u32 s31, $0xD  }
0x117: {  	[sflag:s12] =	ssyncadd.s32 $0xFFFF4000;
	v2 =	vmov s21;
	s21 =	sshra.s32 s23, $0x2;
	s23 =	simm.s32 $0x0  }
.LBB2_14:
0x118: {  	v3 =	vld [tilespmem:s21+$0x0];
	_ =	sdelay $0x3  }
0x119: {  	v4 =	vmov s23  }
0x11a: {  	v4 =	vshll.u32 v4, $0x7;
	v5 =	vsub.s32 v3, v2  }
0x11b: {  	v4 =	vand.u32 $0x380, v4;
	v6 =	vshll.u32 v5, $0x3  }
0x11c: {  	v4 =	vbroadcast v4, $0x0;
	v3 =	vand.u32 $0x7F, v3;
	v6 =	vand.u32 $0xFFFFFC00, v6  }
0x11d: {  	vm0 =	vlt.u32 v5, $0x1800;
	v3 =	vor.u32 v6, v3  }
0x11e: {  	v3 =	vor.u32 v4, v3;
	_ =	sdelay $0x4  }
0x11f: {  	[tilespmem:v3+s9+$0x0] =	vst.idx.msk vm0, v0  }
0x120: {  	v3 =	vld [tilespmem:s21+$0x10];
	_ =	sdelay $0x4  }
0x121: {  	v40 =	vsub.s32 v3, v2  }
0x122: {  	v41 =	vshll.u32 v40, $0x3  }
0x123: {  	v3 =	vand.u32 $0x7F, v3;
	v6 =	vand.u32 $0xFFFFFC00, v41  }
0x124: {  	vm4 =	vlt.u32 v40, $0x1800;
	v3 =	vor.u32 v6, v3  }
0x125: {  	v3 =	vor.u32 v4, v3;
	_ =	sdelay $0x4  }
0x126: {  	[tilespmem:v3+s9+$0x0] =	vst.idx.msk vm4, v0  }
0x127: {  	v3 =	vld [tilespmem:s21+$0x20];
	_ =	sdelay $0x4  }
0x128: {  	v42 =	vsub.s32 v3, v2  }
0x129: {  	v43 =	vshll.u32 v42, $0x3  }
0x12a: {  	v3 =	vand.u32 $0x7F, v3;
	v6 =	vand.u32 $0xFFFFFC00, v43  }
0x12b: {  	vm5 =	vlt.u32 v42, $0x1800;
	v3 =	vor.u32 v6, v3  }
0x12c: {  	v3 =	vor.u32 v4, v3;
	_ =	sdelay $0x4  }
0x12d: {  	[tilespmem:v3+s9+$0x0] =	vst.idx.msk vm5, v0  }
0x12e: {  	v3 =	vld [tilespmem:s21+$0x30];
	_ =	sdelay $0x4  }
0x12f: {  	v44 =	vsub.s32 v3, v2  }
0x130: {  	v45 =	vshll.u32 v44, $0x3  }
0x131: {  	v3 =	vand.u32 $0x7F, v3;
	v6 =	vand.u32 $0xFFFFFC00, v45  }
0x132: {  	vm6 =	vlt.u32 v44, $0x1800;
	v3 =	vor.u32 v6, v3  }
0x133: {  	v3 =	vor.u32 v4, v3;
	_ =	sdelay $0x4  }
0x134: {  	[tilespmem:v3+s9+$0x0] =	vst.idx.msk vm6, v0  }
0x135: {  	v3 =	vld [tilespmem:s21+$0x40];
	_ =	sdelay $0x4  }
0x136: {  	v46 =	vsub.s32 v3, v2  }
0x137: {  	v47 =	vshll.u32 v46, $0x3  }
0x138: {  	v3 =	vand.u32 $0x7F, v3;
	v6 =	vand.u32 $0xFFFFFC00, v47  }
0x139: {  	vm7 =	vlt.u32 v46, $0x1800;
	v3 =	vor.u32 v6, v3  }
0x13a: {  	v3 =	vor.u32 v4, v3;
	_ =	sdelay $0x4  }
0x13b: {  	[tilespmem:v3+s9+$0x0] =	vst.idx.msk vm7, v0  }
0x13c: {  	v3 =	vld [tilespmem:s21+$0x50];
	_ =	sdelay $0x4  }
0x13d: {  	v48 =	vsub.s32 v3, v2  }
0x13e: {  	v49 =	vshll.u32 v48, $0x3  }
0x13f: {  	v3 =	vand.u32 $0x7F, v3;
	v6 =	vand.u32 $0xFFFFFC00, v49  }
0x140: {  	vm8 =	vlt.u32 v48, $0x1800;
	v3 =	vor.u32 v6, v3  }
0x141: {  	v3 =	vor.u32 v4, v3;
	_ =	sdelay $0x4  }
0x142: {  	[tilespmem:v3+s9+$0x0] =	vst.idx.msk vm8, v0  }
0x143: {  	v3 =	vld [tilespmem:s21+$0x60];
	_ =	sdelay $0x4  }
0x144: {  	v50 =	vsub.s32 v3, v2  }
0x145: {  	v51 =	vshll.u32 v50, $0x3  }
0x146: {  	v3 =	vand.u32 $0x7F, v3;
	v6 =	vand.u32 $0xFFFFFC00, v51  }
0x147: {  	vm9 =	vlt.u32 v50, $0x1800;
	v3 =	vor.u32 v6, v3  }
0x148: {  	v3 =	vor.u32 v4, v3;
	_ =	sdelay $0x4  }
0x149: {  	[tilespmem:v3+s9+$0x0] =	vst.idx.msk vm9, v0  }
0x14a: {  	v3 =	vld [tilespmem:s21+$0x70];
	_ =	sdelay $0x4  }
0x14b: {  	v52 =	vsub.s32 v3, v2  }
0x14c: {  	v53 =	vshll.u32 v52, $0x3  }
0x14d: {  	v3 =	vand.u32 $0x7F, v3;
	v6 =	vand.u32 $0xFFFFFC00, v53  }
0x14e: {  	vm10 =	vlt.u32 v52, $0x1800;
	v3 =	vor.u32 v6, v3  }
0x14f: {  	v3 =	vor.u32 v4, v3;
	_ =	sdelay $0x4  }
0x150: {  	[tilespmem:v3+s9+$0x0] =	vst.idx.msk vm10, v0  }
0x151: {  	v3 =	vld [tilespmem:s21+$0x400];
	_ =	sdelay $0x4  }
0x152: {  	v54 =	vsub.s32 v3, v2  }
0x153: {  	v55 =	vshll.u32 v54, $0x3  }
0x154: {  	v3 =	vand.u32 $0x7F, v3;
	v6 =	vand.u32 $0xFFFFFC00, v55  }
0x155: {  	vm11 =	vlt.u32 v54, $0x1800;
	v3 =	vor.u32 v6, v3  }
0x156: {  	v3 =	vor.u32 v4, v3;
	_ =	sdelay $0x4  }
0x157: {  	[tilespmem:v3+s9+$0x0] =	vst.idx.msk vm11, v0  }
0x158: {  	v3 =	vld [tilespmem:s21+$0x410];
	_ =	sdelay $0x4  }
0x159: {  	v56 =	vsub.s32 v3, v2  }
0x15a: {  	v57 =	vshll.u32 v56, $0x3  }
0x15b: {  	v3 =	vand.u32 $0x7F, v3;
	v6 =	vand.u32 $0xFFFFFC00, v57  }
0x15c: {  	vm12 =	vlt.u32 v56, $0x1800;
	v3 =	vor.u32 v6, v3  }
0x15d: {  	v3 =	vor.u32 v4, v3;
	_ =	sdelay $0x4  }
0x15e: {  	[tilespmem:v3+s9+$0x0] =	vst.idx.msk vm12, v0  }
0x15f: {  	v3 =	vld [tilespmem:s21+$0x420];
	_ =	sdelay $0x4  }
0x160: {  	v58 =	vsub.s32 v3, v2  }
0x161: {  	v59 =	vshll.u32 v58, $0x3  }
0x162: {  	v3 =	vand.u32 $0x7F, v3;
	v6 =	vand.u32 $0xFFFFFC00, v59  }
0x163: {  	vm13 =	vlt.u32 v58, $0x1800;
	v3 =	vor.u32 v6, v3  }
0x164: {  	v3 =	vor.u32 v4, v3;
	_ =	sdelay $0x4  }
0x165: {  	[tilespmem:v3+s9+$0x0] =	vst.idx.msk vm13, v0  }
0x166: {  	v3 =	vld [tilespmem:s21+$0x430];
	_ =	sdelay $0x4  }
0x167: {  	v60 =	vsub.s32 v3, v2  }
0x168: {  	v61 =	vshll.u32 v60, $0x3  }
0x169: {  	v3 =	vand.u32 $0x7F, v3;
	v6 =	vand.u32 $0xFFFFFC00, v61  }
0x16a: {  	vm14 =	vlt.u32 v60, $0x1800;
	v3 =	vor.u32 v6, v3  }
0x16b: {  	v3 =	vor.u32 v4, v3;
	_ =	sdelay $0x4  }
0x16c: {  	[tilespmem:v3+s9+$0x0] =	vst.idx.msk vm14, v0  }
0x16d: {  	v3 =	vld [tilespmem:s21+$0x440];
	_ =	sdelay $0x4  }
0x16e: {  	v62 =	vsub.s32 v3, v2  }
0x16f: {  	v63 =	vshll.u32 v62, $0x3  }
0x170: {  	v3 =	vand.u32 $0x7F, v3;
	v6 =	vand.u32 $0xFFFFFC00, v63  }
0x171: {  	vm15 =	vlt.u32 v62, $0x1800;
	v3 =	vor.u32 v6, v3  }
0x172: {  	p0 =	sne.s32 s23, $0x7;
	v3 =	vor.u32 v4, v3  }
.Ltmp6:
0x173: {  	_ = 	snop;
	(pc) =	sbr.rel @p0 .LBB2_14-.Ltmp6, $2  }
0x174: {  	_ =	sdelay $0x2  }
0x175: {  	s23 =	sadd.s32 $0x1, s23;
	s21 =	sadd.s32 $0x80, s21;
	[tilespmem:v3+s9+$0x0] =	vst.idx.msk vm15, v0  }
.LBB2_15:
0x176: {  	s21 =	sadd.s32 $0x1800, s22  }
0x177: {  	s22 =	simm.s32 $0x0;
	s23 =	smov.u32 s15;
	v2 =	vmov s21  }
.LBB2_16:
0x178: {  	v3 =	vld [tilespmem:s23+$0x0];
	_ =	sdelay $0x3  }
0x179: {  	v4 =	vmov s22  }
0x17a: {  	v4 =	vshll.u32 v4, $0x7;
	v5 =	vsub.s32 v3, v2  }
0x17b: {  	v4 =	vand.u32 $0x380, v4;
	v6 =	vshll.u32 v5, $0x3  }
0x17c: {  	v4 =	vbroadcast v4, $0x0;
	v3 =	vand.u32 $0x7F, v3;
	v6 =	vand.u32 $0xFFFFFC00, v6  }
0x17d: {  	vm0 =	vlt.u32 v5, $0x1800;
	v3 =	vor.u32 v6, v3  }
0x17e: {  	v3 =	vor.u32 v4, v3;
	_ =	sdelay $0x4  }
0x17f: {  	[tilespmem:v3+s9+$0x0] =	vst.idx.msk vm0, v1  }
0x180: {  	v3 =	vld [tilespmem:s23+$0x10];
	_ =	sdelay $0x4  }
0x181: {  	v40 =	vsub.s32 v3, v2  }
0x182: {  	v41 =	vshll.u32 v40, $0x3  }
0x183: {  	v3 =	vand.u32 $0x7F, v3;
	v6 =	vand.u32 $0xFFFFFC00, v41  }
0x184: {  	vm4 =	vlt.u32 v40, $0x1800;
	v3 =	vor.u32 v6, v3  }
0x185: {  	v3 =	vor.u32 v4, v3;
	_ =	sdelay $0x4  }
0x186: {  	[tilespmem:v3+s9+$0x0] =	vst.idx.msk vm4, v1  }
0x187: {  	v3 =	vld [tilespmem:s23+$0x20];
	_ =	sdelay $0x4  }
0x188: {  	v42 =	vsub.s32 v3, v2  }
0x189: {  	v43 =	vshll.u32 v42, $0x3  }
0x18a: {  	v3 =	vand.u32 $0x7F, v3;
	v6 =	vand.u32 $0xFFFFFC00, v43  }
0x18b: {  	vm5 =	vlt.u32 v42, $0x1800;
	v3 =	vor.u32 v6, v3  }
0x18c: {  	v3 =	vor.u32 v4, v3;
	_ =	sdelay $0x4  }
0x18d: {  	[tilespmem:v3+s9+$0x0] =	vst.idx.msk vm5, v1  }
0x18e: {  	v3 =	vld [tilespmem:s23+$0x30];
	_ =	sdelay $0x4  }
0x18f: {  	v44 =	vsub.s32 v3, v2  }
0x190: {  	v45 =	vshll.u32 v44, $0x3  }
0x191: {  	v3 =	vand.u32 $0x7F, v3;
	v6 =	vand.u32 $0xFFFFFC00, v45  }
0x192: {  	vm6 =	vlt.u32 v44, $0x1800;
	v3 =	vor.u32 v6, v3  }
0x193: {  	v3 =	vor.u32 v4, v3;
	_ =	sdelay $0x4  }
0x194: {  	[tilespmem:v3+s9+$0x0] =	vst.idx.msk vm6, v1  }
0x195: {  	v3 =	vld [tilespmem:s23+$0x40];
	_ =	sdelay $0x4  }
0x196: {  	v46 =	vsub.s32 v3, v2  }
0x197: {  	v47 =	vshll.u32 v46, $0x3  }
0x198: {  	v3 =	vand.u32 $0x7F, v3;
	v6 =	vand.u32 $0xFFFFFC00, v47  }
0x199: {  	vm7 =	vlt.u32 v46, $0x1800;
	v3 =	vor.u32 v6, v3  }
0x19a: {  	v3 =	vor.u32 v4, v3;
	_ =	sdelay $0x4  }
0x19b: {  	[tilespmem:v3+s9+$0x0] =	vst.idx.msk vm7, v1  }
0x19c: {  	v3 =	vld [tilespmem:s23+$0x50];
	_ =	sdelay $0x4  }
0x19d: {  	v48 =	vsub.s32 v3, v2  }
0x19e: {  	v49 =	vshll.u32 v48, $0x3  }
0x19f: {  	v3 =	vand.u32 $0x7F, v3;
	v6 =	vand.u32 $0xFFFFFC00, v49  }
0x1a0: {  	vm8 =	vlt.u32 v48, $0x1800;
	v3 =	vor.u32 v6, v3  }
0x1a1: {  	v3 =	vor.u32 v4, v3;
	_ =	sdelay $0x4  }
0x1a2: {  	[tilespmem:v3+s9+$0x0] =	vst.idx.msk vm8, v1  }
0x1a3: {  	v3 =	vld [tilespmem:s23+$0x60];
	_ =	sdelay $0x4  }
0x1a4: {  	v50 =	vsub.s32 v3, v2  }
0x1a5: {  	v51 =	vshll.u32 v50, $0x3  }
0x1a6: {  	v3 =	vand.u32 $0x7F, v3;
	v6 =	vand.u32 $0xFFFFFC00, v51  }
0x1a7: {  	vm9 =	vlt.u32 v50, $0x1800;
	v3 =	vor.u32 v6, v3  }
0x1a8: {  	v3 =	vor.u32 v4, v3;
	_ =	sdelay $0x4  }
0x1a9: {  	[tilespmem:v3+s9+$0x0] =	vst.idx.msk vm9, v1  }
0x1aa: {  	v3 =	vld [tilespmem:s23+$0x70];
	_ =	sdelay $0x4  }
0x1ab: {  	v52 =	vsub.s32 v3, v2  }
0x1ac: {  	v53 =	vshll.u32 v52, $0x3  }
0x1ad: {  	v3 =	vand.u32 $0x7F, v3;
	v6 =	vand.u32 $0xFFFFFC00, v53  }
0x1ae: {  	vm10 =	vlt.u32 v52, $0x1800;
	v3 =	vor.u32 v6, v3  }
0x1af: {  	v3 =	vor.u32 v4, v3;
	_ =	sdelay $0x4  }
0x1b0: {  	[tilespmem:v3+s9+$0x0] =	vst.idx.msk vm10, v1  }
0x1b1: {  	v3 =	vld [tilespmem:s23+$0x400];
	_ =	sdelay $0x4  }
0x1b2: {  	v54 =	vsub.s32 v3, v2  }
0x1b3: {  	v55 =	vshll.u32 v54, $0x3  }
0x1b4: {  	v3 =	vand.u32 $0x7F, v3;
	v6 =	vand.u32 $0xFFFFFC00, v55  }
0x1b5: {  	vm11 =	vlt.u32 v54, $0x1800;
	v3 =	vor.u32 v6, v3  }
0x1b6: {  	v3 =	vor.u32 v4, v3;
	_ =	sdelay $0x4  }
0x1b7: {  	[tilespmem:v3+s9+$0x0] =	vst.idx.msk vm11, v1  }
0x1b8: {  	v3 =	vld [tilespmem:s23+$0x410];
	_ =	sdelay $0x4  }
0x1b9: {  	v56 =	vsub.s32 v3, v2  }
0x1ba: {  	v57 =	vshll.u32 v56, $0x3  }
0x1bb: {  	v3 =	vand.u32 $0x7F, v3;
	v6 =	vand.u32 $0xFFFFFC00, v57  }
0x1bc: {  	vm12 =	vlt.u32 v56, $0x1800;
	v3 =	vor.u32 v6, v3  }
0x1bd: {  	v3 =	vor.u32 v4, v3;
	_ =	sdelay $0x4  }
0x1be: {  	[tilespmem:v3+s9+$0x0] =	vst.idx.msk vm12, v1  }
0x1bf: {  	v3 =	vld [tilespmem:s23+$0x420];
	_ =	sdelay $0x4  }
0x1c0: {  	v58 =	vsub.s32 v3, v2  }
0x1c1: {  	v59 =	vshll.u32 v58, $0x3  }
0x1c2: {  	v3 =	vand.u32 $0x7F, v3;
	v6 =	vand.u32 $0xFFFFFC00, v59  }
0x1c3: {  	vm13 =	vlt.u32 v58, $0x1800;
	v3 =	vor.u32 v6, v3  }
0x1c4: {  	v3 =	vor.u32 v4, v3;
	_ =	sdelay $0x4  }
0x1c5: {  	[tilespmem:v3+s9+$0x0] =	vst.idx.msk vm13, v1  }
0x1c6: {  	v3 =	vld [tilespmem:s23+$0x430];
	_ =	sdelay $0x4  }
0x1c7: {  	v60 =	vsub.s32 v3, v2  }
0x1c8: {  	v61 =	vshll.u32 v60, $0x3  }
0x1c9: {  	v3 =	vand.u32 $0x7F, v3;
	v6 =	vand.u32 $0xFFFFFC00, v61  }
0x1ca: {  	vm14 =	vlt.u32 v60, $0x1800;
	v3 =	vor.u32 v6, v3  }
0x1cb: {  	v3 =	vor.u32 v4, v3;
	_ =	sdelay $0x4  }
0x1cc: {  	[tilespmem:v3+s9+$0x0] =	vst.idx.msk vm14, v1  }
0x1cd: {  	v3 =	vld [tilespmem:s23+$0x440];
	_ =	sdelay $0x4  }
0x1ce: {  	v62 =	vsub.s32 v3, v2  }
0x1cf: {  	v63 =	vshll.u32 v62, $0x3  }
0x1d0: {  	v3 =	vand.u32 $0x7F, v3;
	v6 =	vand.u32 $0xFFFFFC00, v63  }
0x1d1: {  	vm15 =	vlt.u32 v62, $0x1800;
	v3 =	vor.u32 v6, v3  }
0x1d2: {  	p0 =	sne.s32 s22, $0x7;
	v3 =	vor.u32 v4, v3  }
.Ltmp7:
0x1d3: {  	_ = 	snop;
	(pc) =	sbr.rel @p0 .LBB2_16-.Ltmp7, $2  }
0x1d4: {  	_ =	sdelay $0x2  }
0x1d5: {  	s22 =	sadd.s32 $0x1, s22;
	s23 =	sadd.s32 $0x80, s23;
	[tilespmem:v3+s9+$0x0] =	vst.idx.msk vm15, v1  }
0x1d6: {  	s20 =	sadd.s32 $0x1, s20  }
0x1d7: {  	p0 =	sne.s32 s20, $0x8  }
.Ltmp8:
0x1d8: {  	_ = 	snop;
	(pc) =	sbr.rel @p0 .LBB2_7-.Ltmp8, $3  }
0x1d9: {  	_ =	sdelay $0x1  }
0x1da: {  	s21 =	sadd.s32 s21, s18  }
0x1db: {  	[hbm4b:s21+s2] =	stream.linear.scatter [tilespmem:s9], [sflag:$0x2], $0xC000, $0x38;
	[tilespmem:$0x1D800] =	vst v63  }
0x1dc: {  	p0 =	seq.s32 s17, $0x0  }
.Ltmp9:
0x1dd: {  	_ = 	snop;
	(pc) =	sbr.rel @p0 .LBB2_21-.Ltmp9, $1  }
0x1de: {  	_ =	sdelay $0x3  }
0x1df: {  	_ =	swait.ge [sflag:s13], $0x3800  }
0x1e0: {  	[sflag:s13] =	ssyncset.done $0x0  }
0x1e1: {  	s19 =	simm.s32 $0x0;
	s20 =	smov.u32 s16;
	[sflag:s13] =	ssyncadd.s32 $0xFFFFC800  }
.LBB2_20:
0x1e2: {  	v2 =	vld [tilespmem:s20+$0x0];
	_ =	sdelay $0x3  }
0x1e3: {  	v3 =	vmov s19  }
0x1e4: {  	v3 =	vshll.u32 v3, $0x7;
	v4 =	vadd.s32 $0xFFFE8000, v2  }
0x1e5: {  	v3 =	vand.u32 $0x380, v3;
	v5 =	vshll.u32 v4, $0x3  }
0x1e6: {  	v3 =	vbroadcast v3, $0x0;
	v2 =	vand.u32 $0x7F, v2;
	v5 =	vand.u32 $0xFFFFFC00, v5  }
0x1e7: {  	vm0 =	vlt.u32 v4, $0x6A0;
	v2 =	vor.u32 v5, v2  }
0x1e8: {  	v2 =	vor.u32 v3, v2;
	_ =	sdelay $0x4  }
0x1e9: {  	[tilespmem:v2+s10+$0x0] =	vst.idx.msk vm0, v0  }
0x1ea: {  	v2 =	vld [tilespmem:s20+$0x10];
	_ =	sdelay $0x4  }
0x1eb: {  	v40 =	vadd.s32 $0xFFFE8000, v2  }
0x1ec: {  	v41 =	vshll.u32 v40, $0x3  }
0x1ed: {  	v2 =	vand.u32 $0x7F, v2;
	v5 =	vand.u32 $0xFFFFFC00, v41  }
0x1ee: {  	vm4 =	vlt.u32 v40, $0x6A0;
	v2 =	vor.u32 v5, v2  }
0x1ef: {  	v2 =	vor.u32 v3, v2;
	_ =	sdelay $0x4  }
0x1f0: {  	[tilespmem:v2+s10+$0x0] =	vst.idx.msk vm4, v0  }
0x1f1: {  	v2 =	vld [tilespmem:s20+$0x20];
	_ =	sdelay $0x4  }
0x1f2: {  	v42 =	vadd.s32 $0xFFFE8000, v2  }
0x1f3: {  	v43 =	vshll.u32 v42, $0x3  }
0x1f4: {  	v2 =	vand.u32 $0x7F, v2;
	v5 =	vand.u32 $0xFFFFFC00, v43  }
0x1f5: {  	vm5 =	vlt.u32 v42, $0x6A0;
	v2 =	vor.u32 v5, v2  }
0x1f6: {  	v2 =	vor.u32 v3, v2;
	_ =	sdelay $0x4  }
0x1f7: {  	[tilespmem:v2+s10+$0x0] =	vst.idx.msk vm5, v0  }
0x1f8: {  	v2 =	vld [tilespmem:s20+$0x30];
	_ =	sdelay $0x4  }
0x1f9: {  	v44 =	vadd.s32 $0xFFFE8000, v2  }
0x1fa: {  	v45 =	vshll.u32 v44, $0x3  }
0x1fb: {  	v2 =	vand.u32 $0x7F, v2;
	v5 =	vand.u32 $0xFFFFFC00, v45  }
0x1fc: {  	vm6 =	vlt.u32 v44, $0x6A0;
	v2 =	vor.u32 v5, v2  }
0x1fd: {  	v2 =	vor.u32 v3, v2;
	_ =	sdelay $0x4  }
0x1fe: {  	[tilespmem:v2+s10+$0x0] =	vst.idx.msk vm6, v0  }
0x1ff: {  	v2 =	vld [tilespmem:s20+$0x40];
	_ =	sdelay $0x4  }
0x200: {  	v46 =	vadd.s32 $0xFFFE8000, v2  }
0x201: {  	v47 =	vshll.u32 v46, $0x3  }
0x202: {  	v2 =	vand.u32 $0x7F, v2;
	v5 =	vand.u32 $0xFFFFFC00, v47  }
0x203: {  	vm7 =	vlt.u32 v46, $0x6A0;
	v2 =	vor.u32 v5, v2  }
0x204: {  	v2 =	vor.u32 v3, v2;
	_ =	sdelay $0x4  }
0x205: {  	[tilespmem:v2+s10+$0x0] =	vst.idx.msk vm7, v0  }
0x206: {  	v2 =	vld [tilespmem:s20+$0x50];
	_ =	sdelay $0x4  }
0x207: {  	v48 =	vadd.s32 $0xFFFE8000, v2  }
0x208: {  	v49 =	vshll.u32 v48, $0x3  }
0x209: {  	v2 =	vand.u32 $0x7F, v2;
	v5 =	vand.u32 $0xFFFFFC00, v49  }
0x20a: {  	vm8 =	vlt.u32 v48, $0x6A0;
	v2 =	vor.u32 v5, v2  }
0x20b: {  	v2 =	vor.u32 v3, v2;
	_ =	sdelay $0x4  }
0x20c: {  	[tilespmem:v2+s10+$0x0] =	vst.idx.msk vm8, v0  }
0x20d: {  	v2 =	vld [tilespmem:s20+$0x60];
	_ =	sdelay $0x4  }
0x20e: {  	v50 =	vadd.s32 $0xFFFE8000, v2  }
0x20f: {  	v51 =	vshll.u32 v50, $0x3  }
0x210: {  	v2 =	vand.u32 $0x7F, v2;
	v5 =	vand.u32 $0xFFFFFC00, v51  }
0x211: {  	vm9 =	vlt.u32 v50, $0x6A0;
	v2 =	vor.u32 v5, v2  }
0x212: {  	v2 =	vor.u32 v3, v2;
	_ =	sdelay $0x4  }
0x213: {  	[tilespmem:v2+s10+$0x0] =	vst.idx.msk vm9, v0  }
0x214: {  	v2 =	vld [tilespmem:s20+$0x70];
	_ =	sdelay $0x4  }
0x215: {  	v52 =	vadd.s32 $0xFFFE8000, v2  }
0x216: {  	v53 =	vshll.u32 v52, $0x3  }
0x217: {  	v2 =	vand.u32 $0x7F, v2;
	v5 =	vand.u32 $0xFFFFFC00, v53  }
0x218: {  	vm10 =	vlt.u32 v52, $0x6A0;
	v2 =	vor.u32 v5, v2  }
0x219: {  	v2 =	vor.u32 v3, v2;
	_ =	sdelay $0x4  }
0x21a: {  	[tilespmem:v2+s10+$0x0] =	vst.idx.msk vm10, v0  }
0x21b: {  	v2 =	vld [tilespmem:s20+$0x400];
	_ =	sdelay $0x4  }
0x21c: {  	v54 =	vadd.s32 $0xFFFE8000, v2  }
0x21d: {  	v55 =	vshll.u32 v54, $0x3  }
0x21e: {  	v2 =	vand.u32 $0x7F, v2;
	v5 =	vand.u32 $0xFFFFFC00, v55  }
0x21f: {  	vm11 =	vlt.u32 v54, $0x6A0;
	v2 =	vor.u32 v5, v2  }
0x220: {  	v2 =	vor.u32 v3, v2;
	_ =	sdelay $0x4  }
0x221: {  	[tilespmem:v2+s10+$0x0] =	vst.idx.msk vm11, v0  }
0x222: {  	v2 =	vld [tilespmem:s20+$0x410];
	_ =	sdelay $0x4  }
0x223: {  	v56 =	vadd.s32 $0xFFFE8000, v2  }
0x224: {  	v57 =	vshll.u32 v56, $0x3  }
0x225: {  	v2 =	vand.u32 $0x7F, v2;
	v5 =	vand.u32 $0xFFFFFC00, v57  }
0x226: {  	vm12 =	vlt.u32 v56, $0x6A0;
	v2 =	vor.u32 v5, v2  }
0x227: {  	v2 =	vor.u32 v3, v2;
	_ =	sdelay $0x4  }
0x228: {  	[tilespmem:v2+s10+$0x0] =	vst.idx.msk vm12, v0  }
0x229: {  	v2 =	vld [tilespmem:s20+$0x420];
	_ =	sdelay $0x4  }
0x22a: {  	v58 =	vadd.s32 $0xFFFE8000, v2  }
0x22b: {  	v59 =	vshll.u32 v58, $0x3  }
0x22c: {  	v2 =	vand.u32 $0x7F, v2;
	v5 =	vand.u32 $0xFFFFFC00, v59  }
0x22d: {  	vm13 =	vlt.u32 v58, $0x6A0;
	v2 =	vor.u32 v5, v2  }
0x22e: {  	v2 =	vor.u32 v3, v2;
	_ =	sdelay $0x4  }
0x22f: {  	[tilespmem:v2+s10+$0x0] =	vst.idx.msk vm13, v0  }
0x230: {  	v2 =	vld [tilespmem:s20+$0x430];
	_ =	sdelay $0x4  }
0x231: {  	v60 =	vadd.s32 $0xFFFE8000, v2  }
0x232: {  	v61 =	vshll.u32 v60, $0x3  }
0x233: {  	v2 =	vand.u32 $0x7F, v2;
	v5 =	vand.u32 $0xFFFFFC00, v61  }
0x234: {  	vm14 =	vlt.u32 v60, $0x6A0;
	v2 =	vor.u32 v5, v2  }
0x235: {  	v2 =	vor.u32 v3, v2;
	_ =	sdelay $0x4  }
0x236: {  	[tilespmem:v2+s10+$0x0] =	vst.idx.msk vm14, v0  }
0x237: {  	v2 =	vld [tilespmem:s20+$0x440];
	_ =	sdelay $0x4  }
0x238: {  	v62 =	vadd.s32 $0xFFFE8000, v2  }
0x239: {  	v63 =	vshll.u32 v62, $0x3  }
0x23a: {  	v2 =	vand.u32 $0x7F, v2;
	v5 =	vand.u32 $0xFFFFFC00, v63  }
0x23b: {  	vm15 =	vlt.u32 v62, $0x6A0;
	v2 =	vor.u32 v5, v2  }
0x23c: {  	p0 =	sne.s32 s19, $0x7;
	v2 =	vor.u32 v3, v2  }
.Ltmp10:
0x23d: {  	_ = 	snop;
	(pc) =	sbr.rel @p0 .LBB2_20-.Ltmp10, $2  }
0x23e: {  	_ =	sdelay $0x2  }
0x23f: {  	s19 =	sadd.s32 $0x1, s19;
	s20 =	sadd.s32 $0x80, s20;
	[tilespmem:v2+s10+$0x0] =	vst.idx.msk vm15, v0  }
.LBB2_21:
0x240: {  	s19 =	simm.s32 $0x0;
	s20 =	smov.u32 s15  }
.LBB2_22:
0x241: {  	v2 =	vld [tilespmem:s20+$0x0];
	_ =	sdelay $0x3  }
0x242: {  	v3 =	vmov s19  }
0x243: {  	v3 =	vshll.u32 v3, $0x7;
	v4 =	vadd.s32 $0xFFFE8000, v2  }
0x244: {  	v3 =	vand.u32 $0x380, v3;
	v5 =	vshll.u32 v4, $0x3  }
0x245: {  	v3 =	vbroadcast v3, $0x0;
	v2 =	vand.u32 $0x7F, v2;
	v5 =	vand.u32 $0xFFFFFC00, v5  }
0x246: {  	vm0 =	vlt.u32 v4, $0x6A0;
	v2 =	vor.u32 v5, v2  }
0x247: {  	v2 =	vor.u32 v3, v2;
	_ =	sdelay $0x4  }
0x248: {  	[tilespmem:v2+s10+$0x0] =	vst.idx.msk vm0, v1  }
0x249: {  	v2 =	vld [tilespmem:s20+$0x10];
	_ =	sdelay $0x4  }
0x24a: {  	v40 =	vadd.s32 $0xFFFE8000, v2  }
0x24b: {  	v41 =	vshll.u32 v40, $0x3  }
0x24c: {  	v2 =	vand.u32 $0x7F, v2;
	v5 =	vand.u32 $0xFFFFFC00, v41  }
0x24d: {  	vm4 =	vlt.u32 v40, $0x6A0;
	v2 =	vor.u32 v5, v2  }
0x24e: {  	v2 =	vor.u32 v3, v2;
	_ =	sdelay $0x4  }
0x24f: {  	[tilespmem:v2+s10+$0x0] =	vst.idx.msk vm4, v1  }
0x250: {  	v2 =	vld [tilespmem:s20+$0x20];
	_ =	sdelay $0x4  }
0x251: {  	v42 =	vadd.s32 $0xFFFE8000, v2  }
0x252: {  	v43 =	vshll.u32 v42, $0x3  }
0x253: {  	v2 =	vand.u32 $0x7F, v2;
	v5 =	vand.u32 $0xFFFFFC00, v43  }
0x254: {  	vm5 =	vlt.u32 v42, $0x6A0;
	v2 =	vor.u32 v5, v2  }
0x255: {  	v2 =	vor.u32 v3, v2;
	_ =	sdelay $0x4  }
0x256: {  	[tilespmem:v2+s10+$0x0] =	vst.idx.msk vm5, v1  }
0x257: {  	v2 =	vld [tilespmem:s20+$0x30];
	_ =	sdelay $0x4  }
0x258: {  	v44 =	vadd.s32 $0xFFFE8000, v2  }
0x259: {  	v45 =	vshll.u32 v44, $0x3  }
0x25a: {  	v2 =	vand.u32 $0x7F, v2;
	v5 =	vand.u32 $0xFFFFFC00, v45  }
0x25b: {  	vm6 =	vlt.u32 v44, $0x6A0;
	v2 =	vor.u32 v5, v2  }
0x25c: {  	v2 =	vor.u32 v3, v2;
	_ =	sdelay $0x4  }
0x25d: {  	[tilespmem:v2+s10+$0x0] =	vst.idx.msk vm6, v1  }
0x25e: {  	v2 =	vld [tilespmem:s20+$0x40];
	_ =	sdelay $0x4  }
0x25f: {  	v46 =	vadd.s32 $0xFFFE8000, v2  }
0x260: {  	v47 =	vshll.u32 v46, $0x3  }
0x261: {  	v2 =	vand.u32 $0x7F, v2;
	v5 =	vand.u32 $0xFFFFFC00, v47  }
0x262: {  	vm7 =	vlt.u32 v46, $0x6A0;
	v2 =	vor.u32 v5, v2  }
0x263: {  	v2 =	vor.u32 v3, v2;
	_ =	sdelay $0x4  }
0x264: {  	[tilespmem:v2+s10+$0x0] =	vst.idx.msk vm7, v1  }
0x265: {  	v2 =	vld [tilespmem:s20+$0x50];
	_ =	sdelay $0x4  }
0x266: {  	v48 =	vadd.s32 $0xFFFE8000, v2  }
0x267: {  	v49 =	vshll.u32 v48, $0x3  }
0x268: {  	v2 =	vand.u32 $0x7F, v2;
	v5 =	vand.u32 $0xFFFFFC00, v49  }
0x269: {  	vm8 =	vlt.u32 v48, $0x6A0;
	v2 =	vor.u32 v5, v2  }
0x26a: {  	v2 =	vor.u32 v3, v2;
	_ =	sdelay $0x4  }
0x26b: {  	[tilespmem:v2+s10+$0x0] =	vst.idx.msk vm8, v1  }
0x26c: {  	v2 =	vld [tilespmem:s20+$0x60];
	_ =	sdelay $0x4  }
0x26d: {  	v50 =	vadd.s32 $0xFFFE8000, v2  }
0x26e: {  	v51 =	vshll.u32 v50, $0x3  }
0x26f: {  	v2 =	vand.u32 $0x7F, v2;
	v5 =	vand.u32 $0xFFFFFC00, v51  }
0x270: {  	vm9 =	vlt.u32 v50, $0x6A0;
	v2 =	vor.u32 v5, v2  }
0x271: {  	v2 =	vor.u32 v3, v2;
	_ =	sdelay $0x4  }
0x272: {  	[tilespmem:v2+s10+$0x0] =	vst.idx.msk vm9, v1  }
0x273: {  	v2 =	vld [tilespmem:s20+$0x70];
	_ =	sdelay $0x4  }
0x274: {  	v52 =	vadd.s32 $0xFFFE8000, v2  }
0x275: {  	v53 =	vshll.u32 v52, $0x3  }
0x276: {  	v2 =	vand.u32 $0x7F, v2;
	v5 =	vand.u32 $0xFFFFFC00, v53  }
0x277: {  	vm10 =	vlt.u32 v52, $0x6A0;
	v2 =	vor.u32 v5, v2  }
0x278: {  	v2 =	vor.u32 v3, v2;
	_ =	sdelay $0x4  }
0x279: {  	[tilespmem:v2+s10+$0x0] =	vst.idx.msk vm10, v1  }
0x27a: {  	v2 =	vld [tilespmem:s20+$0x400];
	_ =	sdelay $0x4  }
0x27b: {  	v54 =	vadd.s32 $0xFFFE8000, v2  }
0x27c: {  	v55 =	vshll.u32 v54, $0x3  }
0x27d: {  	v2 =	vand.u32 $0x7F, v2;
	v5 =	vand.u32 $0xFFFFFC00, v55  }
0x27e: {  	vm11 =	vlt.u32 v54, $0x6A0;
	v2 =	vor.u32 v5, v2  }
0x27f: {  	v2 =	vor.u32 v3, v2;
	_ =	sdelay $0x4  }
0x280: {  	[tilespmem:v2+s10+$0x0] =	vst.idx.msk vm11, v1  }
0x281: {  	v2 =	vld [tilespmem:s20+$0x410];
	_ =	sdelay $0x4  }
0x282: {  	v56 =	vadd.s32 $0xFFFE8000, v2  }
0x283: {  	v57 =	vshll.u32 v56, $0x3  }
0x284: {  	v2 =	vand.u32 $0x7F, v2;
	v5 =	vand.u32 $0xFFFFFC00, v57  }
0x285: {  	vm12 =	vlt.u32 v56, $0x6A0;
	v2 =	vor.u32 v5, v2  }
0x286: {  	v2 =	vor.u32 v3, v2;
	_ =	sdelay $0x4  }
0x287: {  	[tilespmem:v2+s10+$0x0] =	vst.idx.msk vm12, v1  }
0x288: {  	v2 =	vld [tilespmem:s20+$0x420];
	_ =	sdelay $0x4  }
0x289: {  	v58 =	vadd.s32 $0xFFFE8000, v2  }
0x28a: {  	v59 =	vshll.u32 v58, $0x3  }
0x28b: {  	v2 =	vand.u32 $0x7F, v2;
	v5 =	vand.u32 $0xFFFFFC00, v59  }
0x28c: {  	vm13 =	vlt.u32 v58, $0x6A0;
	v2 =	vor.u32 v5, v2  }
0x28d: {  	v2 =	vor.u32 v3, v2;
	_ =	sdelay $0x4  }
0x28e: {  	[tilespmem:v2+s10+$0x0] =	vst.idx.msk vm13, v1  }
0x28f: {  	v2 =	vld [tilespmem:s20+$0x430];
	_ =	sdelay $0x4  }
0x290: {  	v60 =	vadd.s32 $0xFFFE8000, v2  }
0x291: {  	v61 =	vshll.u32 v60, $0x3  }
0x292: {  	v2 =	vand.u32 $0x7F, v2;
	v5 =	vand.u32 $0xFFFFFC00, v61  }
0x293: {  	vm14 =	vlt.u32 v60, $0x6A0;
	v2 =	vor.u32 v5, v2  }
0x294: {  	v2 =	vor.u32 v3, v2;
	_ =	sdelay $0x4  }
0x295: {  	[tilespmem:v2+s10+$0x0] =	vst.idx.msk vm14, v1  }
0x296: {  	v2 =	vld [tilespmem:s20+$0x440];
	_ =	sdelay $0x4  }
0x297: {  	v62 =	vadd.s32 $0xFFFE8000, v2  }
0x298: {  	v63 =	vshll.u32 v62, $0x3  }
0x299: {  	v2 =	vand.u32 $0x7F, v2;
	v5 =	vand.u32 $0xFFFFFC00, v63  }
0x29a: {  	vm15 =	vlt.u32 v62, $0x6A0;
	v2 =	vor.u32 v5, v2  }
0x29b: {  	p0 =	sne.s32 s19, $0x7;
	v2 =	vor.u32 v3, v2  }
.Ltmp11:
0x29c: {  	_ = 	snop;
	(pc) =	sbr.rel @p0 .LBB2_22-.Ltmp11, $2  }
0x29d: {  	_ =	sdelay $0x2  }
0x29e: {  	s19 =	sadd.s32 $0x1, s19;
	s20 =	sadd.s32 $0x80, s20;
	[tilespmem:v2+s10+$0x0] =	vst.idx.msk vm15, v1  }
0x29f: {  	s17 =	sadd.s32 $0x1, s17  }
0x2a0: {  	p0 =	sne.s32 s17, $0x4  }
.Ltmp12:
0x2a1: {  	_ = 	snop;
	(pc) =	sbr.rel @p0 .LBB2_6-.Ltmp12, $3  }
0x2a2: {  	_ =	sdelay $0x1  }
0x2a3: {  	s18 =	sadd.s32 $0x18000, s18;
	s15 =	sadd.s32 $0x800, s15;
	s16 =	sadd.s32 $0x800, s16  }
0x2a4: {  	[hbm4b:s18+s2] =	stream.linear.scatter [tilespmem:s10], [sflag:$0x3], $0x3800, $0x38;
	[tilespmem:$0x1D800] =	vst v63  }
0x2a5: {  	_ =	swait.ge [sflag:s11], $0xC000  }
0x2a6: {  	[sflag:s11] =	ssyncset.done $0x0  }
0x2a7: {  	s14 =	sadd.s32 $0x1, s14;
	[sflag:s11] =	ssyncadd.s32 $0xFFFF4000  }
0x2a8: {  	p0 =	sne.s32 s14, s6;
	_ =	swait.ge [sflag:s12], $0xC000  }
.Ltmp13:
0x2a9: {  	[sflag:s12] =	ssyncset.done $0x0;
	(pc) =	sbr.rel @p0 .LBB2_1-.Ltmp13, $4  }
0x2aa: {  	[sflag:s12] =	ssyncadd.s32 $0xFFFF4000  }
0x2ab: {  	_ =	swait.ge [sflag:s13], $0x3800  }
0x2ac: {  	[sflag:s13] =	ssyncset.done $0x0  }
0x2ad: {  	[sflag:s13] =	ssyncadd.s32 $0xFFFFC800  }
0x2ae: {  	_ =	sfence.sel $0x180000  }
0x2af: {  	[bflag:$0x0] =	sbarrier.arrive $0xFFFF  }
0x2b0: {  	p0 =	sne.s32 s1, $0x0;
	_ =	strace $0x90000047  }
0x2b1: {  	s0 =	sadd.s32 @!p0 $0x100000, s0;
	[bflag:$0x2] =	sbarrier.arrive $0xFFFF  }
0x2b2: {  	[sflag:s0] =	ssyncadd.tile.s32 @!p0 $0x1;
	_ =	shalt  }
.Lfunc_end2:
_tile_overlayer_lowered:
.L_overlay_start_2:
0x2b3: {  	(tag) =	ssettag $0x2  }
0x2b4: {  	s0 =	rddreg [dreg:$0x0];
	s2 =	stileid.u32  }
0x2b5: {  	s1 =	rddreg [dreg:$0x1];
	p0 =	sne.s32 s2, $0x0  }
0x2b6: {  	s3 =	rddreg [dreg:$0x2];
	[bflag:$0x3] =	sbarrier.arrive $0xFFFF;
	s2 =	simm.s32 @!p0 $0x1C04  }
0x2b7: {  	[timem:s3], [sflag:s2] =	dma.local @!p0 [hbm:s0], s1  }
0x2b8: {  	s0 =	simm.s32 @!p0 $0x4  }
0x2b9: {  	_ =	swait.ge @!p0 [sflag:s0], s1  }
0x2ba: {  	s1 =	ssub.s32 @!p0 $0x0, s1;
	[sflag:s0] =	ssyncset.done @!p0 $0x0  }
0x2bb: {  	[sflag:s0] =	ssyncadd.s32 @!p0 s1  }
0x2bc: {  	[bflag:$0x3] =	sbarrier.arrive $0xFFFF  }
0x2bd: {  	_ =	shalt  }

// kernel: kernel.7.cloned.1.call-start
scs
__scs_entry_jumppad:
0x0: {  	(pc) =	sbr.rel $0x88, $3  }
0x1: {  	(tag) =	ssettag $0x0;
	lr =	simm.s32 $0x1  }
0x2: {  	[smem:$0x3F9D] =	sst lr;
	_ =	strace $0xD0000000  }
0x3: {  	_ = 	snop  }
0x4: {  	_ = 	snop  }
0x5: {  	_ = 	snop  }
0x6: {  	_ = 	snop  }
0x7: {  	_ = 	snop  }
__scs_overlays_trampoline_lowered:
0x8: {  	[smem:$0x3FAC] =	sst s0  }
0x9: {  	[smem:$0x3FAD] =	sst s1  }
0xa: {  	[smem:$0x3FAE] =	sst s2  }
0xb: {  	[smem:$0x3FAF] =	sst s3  }
0xc: {  	[smem:$0x3FB0] =	sst s4  }
0xd: {  	[smem:$0x3FB1] =	sst s5  }
0xe: {  	[smem:$0x3FB2] =	sst s6  }
0xf: {  	[smem:$0x3FB3] =	sst s7  }
0x10: {  	[smem:$0x3FB4] =	sst s8  }
0x11: {  	[smem:$0x3FB5] =	sst s9;
	s0 =	simm.s32 @!p0 $0x0  }
0x12: {  	s1 =	sld [smem:$0x3F9B];
	s0 =	simm.s32 @p0 $0x1  }
0x13: {  	[smem:$0x3FB6] =	sst s0;
	s0 =	simm.s32 @!p1 $0x0  }
0x14: {  	s2 =	sld [smem:$0x3F9A];
	s0 =	simm.s32 @p1 $0x1  }
0x15: {  	[smem:$0x3FB7] =	sst s0;
	s0 =	simm.s32 @!p2 $0x0  }
0x16: {  	s3 =	sld [smem:$0x3FDB];
	s0 =	simm.s32 @p2 $0x1  }
0x17: {  	s4 =	simm.s32 $0x1BF5;
	[smem:$0x3FB9] =	sst s0  }
0x18: {  	s0 =	sld [smem:$0x3F9C];
	_ =	swait.ge [sflag:s4], $0x0  }
0x19: {  	s7 =	sld [smem:$0x3F9D]  }
0x1a: {  	s8 =	sadd.s32 $0xFFFFE003, lr  }
0x1b: {  	s9 =	sadd.s32 $0xFFFFFEF7, lr;
	s5 =	simm.s32 $0xFFFFFFFF;
	p2 =	slt.u32 s8, $0xFFFFF086  }
0x1c: {  	p1 =	slt.u32 s9, $0xF7A;
	s5 =	simm.s32 @!p2 $0x0  }
0x1d: {  	s5 =	simm.s32 @p1 $0x1;
	p0 =	seq.s32 s7, s2  }
0x1e: {  	s7 =	smul.u32 @!p0 $0xF7A, s2;
	p2 =	seq.s32 @!p0 s5, $0x0  }
0x1f: {  	s9 =	smul.u32 $0xF7A, s1;
	s8 =	simm.s32 @!p0 $0x1BF5;
	p2 =	por !p2, p0  }
0x20: {  	[sflag:s8] =	ssyncset.s32 @!p0 $0xFFFFF086;
	s6 =	sadd.s32 @!p0 s3, s7;
	s7 =	simm.s32 @!p0 $0x108  }
0x21: {  	s3 =	sadd.s32 s3, s9;
	s6 =	sadd.s32 @!p0 $0x88, s6;
	s7 =	simm.s32 @p2 $0x1082  }
0x22: {  	[simem:s7], [sflag:s8] =	dma.local @!p0 [hbm:s6], $0xF7A  }
0x23: {  	s9 =	sor.u32 $0xD0000000, s2;
	s6 =	simm.s32 $0x108;
	_ =	swait.ge @!p0 [sflag:s8], $0x0  }
0x24: {  	s3 =	sadd.s32 $0x88, s3;
	s6 =	simm.s32 @!p1 $0x1082;
	[sflag:s4] =	ssyncset.s32 $0xFFFFF086  }
0x25: {  	[simem:s6], [sflag:s4] =	dma.local [hbm:s3], $0xF7A  }
0x26: {  	[smem:$0x3F9D] =	sst s1;
	(tag) =	ssettag s2;
	_ =	strace s9  }
0x27: {  	s1 =	sld [smem:$0x3FAD]  }
0x28: {  	s2 =	sld [smem:$0x3FAE]  }
0x29: {  	s4 =	sld [smem:$0x3FB0]  }
0x2a: {  	p0 =	seq.s32 s5, $0x0;
	s5 =	sld [smem:$0x3FB1]  }
0x2b: {  	s6 =	sld [smem:$0x3FB2]  }
0x2c: {  	s7 =	sld [smem:$0x3FB3]  }
0x2d: {  	s3 =	simm.s32 $0x108;
	s8 =	sld [smem:$0x3FB4]  }
0x2e: {  	s3 =	simm.s32 @!p0 $0x1082;
	s9 =	sld [smem:$0x3FB5]  }
0x2f: {  	lr =	sadd.s32 s0, s3;
	s0 =	sld [smem:$0x3FAC]  }
0x30: {  	s3 =	sld [smem:$0x3FAF]  }
0x31: {  	[smem:$0x3FB8] =	sst s10  }
0x32: {  	s10 =	sld [smem:$0x3FB6];
	_ =	sdelay $0x3  }
0x33: {  	p0 =	seq.s32 s10, $0x1;
	s10 =	sld [smem:$0x3FB8];
	_ =	sdelay $0x3  }
0x34: {  	[smem:$0x3FB8] =	sst s10  }
0x35: {  	s10 =	sld [smem:$0x3FB7];
	_ =	sdelay $0x3  }
0x36: {  	p1 =	seq.s32 s10, $0x1;
	s10 =	sld [smem:$0x3FB8];
	_ =	sdelay $0x3  }
0x37: {  	[smem:$0x3FB8] =	sst s10  }
0x38: {  	s10 =	sld [smem:$0x3FB9]  }
0x39: {  	_ = 	snop;
	(pc) =	sbr.ind lr, $3  }
0x3a: {  	_ = 	snop  }
0x3b: {  	_ = 	snop  }
0x3c: {  	p2 =	seq.s32 s10, $0x1;
	s10 =	sld [smem:$0x3FB8]  }
0x3d: {  	_ =	shalt  }
0x3e: {  	_ =	shalt  }
0x3f: {  	_ =	shalt  }
0x40: {  	_ =	shalt  }
0x41: {  	_ =	shalt  }
0x42: {  	_ =	shalt  }
0x43: {  	_ =	shalt  }
0x44: {  	_ =	shalt  }
0x45: {  	_ =	shalt  }
0x46: {  	_ =	shalt  }
0x47: {  	_ =	shalt  }
0x48: {  	_ =	shalt  }
0x49: {  	_ =	shalt  }
0x4a: {  	_ =	shalt  }
0x4b: {  	_ =	shalt  }
0x4c: {  	_ =	shalt  }
0x4d: {  	_ =	shalt  }
0x4e: {  	_ =	shalt  }
0x4f: {  	_ =	shalt  }
0x50: {  	_ =	shalt  }
0x51: {  	_ =	shalt  }
0x52: {  	_ =	shalt  }
0x53: {  	_ =	shalt  }
0x54: {  	_ =	shalt  }
0x55: {  	_ =	shalt  }
0x56: {  	_ =	shalt  }
0x57: {  	_ =	shalt  }
0x58: {  	_ =	shalt  }
0x59: {  	_ =	shalt  }
0x5a: {  	_ =	shalt  }
0x5b: {  	_ =	shalt  }
0x5c: {  	_ =	shalt  }
0x5d: {  	_ =	shalt  }
0x5e: {  	_ =	shalt  }
0x5f: {  	_ =	shalt  }
0x60: {  	_ =	shalt  }
0x61: {  	_ =	shalt  }
0x62: {  	_ =	shalt  }
0x63: {  	_ =	shalt  }
0x64: {  	_ =	shalt  }
0x65: {  	_ =	shalt  }
0x66: {  	_ =	shalt  }
0x67: {  	_ =	shalt  }
0x68: {  	_ =	shalt  }
0x69: {  	_ =	shalt  }
0x6a: {  	_ =	shalt  }
0x6b: {  	_ =	shalt  }
0x6c: {  	_ =	shalt  }
0x6d: {  	_ =	shalt  }
0x6e: {  	_ =	shalt  }
0x6f: {  	_ =	shalt  }
0x70: {  	_ =	shalt  }
0x71: {  	_ =	shalt  }
0x72: {  	_ =	shalt  }
0x73: {  	_ =	shalt  }
0x74: {  	_ =	shalt  }
0x75: {  	_ =	shalt  }
0x76: {  	_ =	shalt  }
0x77: {  	_ =	shalt  }
0x78: {  	_ =	shalt  }
0x79: {  	_ =	shalt  }
0x7a: {  	_ =	shalt  }
0x7b: {  	_ =	shalt  }
0x7c: {  	_ =	shalt  }
0x7d: {  	_ =	shalt  }
0x7e: {  	_ =	shalt  }
0x7f: {  	_ =	shalt  }
0x80: {  	_ =	shalt  }
0x81: {  	_ =	shalt  }
0x82: {  	_ =	shalt  }
0x83: {  	_ =	shalt  }
0x84: {  	_ =	shalt  }
0x85: {  	_ =	shalt  }
0x86: {  	_ =	shalt  }
0x87: {  	_ =	shalt  }
.Lfunc_end0:
.L_simem_size_0:
called_computation.1_lowered:
.L_overlay_start_0:
0x88: {  	s2 =	sld [smem:$0x3FD9]  }
0x89: {  	s3 =	sld [smem:$0x3FFE];
	_ =	sdelay $0x1  }
0x8a: {  	s1 =	srdreg.scid  }
0x8b: {  	s0 =	sand.u32 $0x1, s1  }
0x8c: {  	s15 =	sshll.u32 s0, $0xA;
	s2 =	sadd.s32 s3, s2  }
0x8d: {  	s2 =	sadd.s32 s2, s15  }
0x8e: {  	[smem:$0x3FC4] =	sst s2  }
0x8f: {  	_ = 	snop  }
0x90: {  	s2 =	sld [smem:$0x3FD0];
	_ =	sdelay $0x2  }
0x91: {  	s16 =	simm.s32 $0xB;
	s4 =	simm.s32 $0x10  }
0x92: {  	[smem:s4], [sflag:s16] =	dma.local [hbm:s2], $0x1  }
0x93: {  	_ =	swait.eq [sflag:s16], $0x1  }
0x94: {  	[sflag:s16] =	ssyncset.done $0x0  }
0x95: {  	[sflag:s16] =	ssyncadd.s32 $0xFFFFFFFF  }
0x96: {  	s17 =	sld [smem:$0x11];
	(tm) =	ssettm $0x1  }
0x97: {  	s18 =	sld [smem:$0x3FFB];
	_ =	sdelay $0x3  }
0x98: {  	_ =	strace s18  }
0x99: {  	s2 =	sld [smem:$0x3FFC];
	_ =	sdelay $0x3  }
0x9a: {  	_ =	strace s2  }
0x9b: {  	s2 =	sld [smem:$0x3FFD];
	_ =	sdelay $0x3  }
0x9c: {  	_ =	strace s2  }
0x9d: {  	_ =	strace $0x8FFFFFFF  }
0x9e: {  	s19 =	sld [smem:$0x3FDB];
	_ =	sdelay $0x1  }
0x9f: {  	s20 =	simm.s32 $_scs_section_size  }
0xa0: {  	s5 =	simm.s32 $_size__tile_overlayer_lowered;
	s6 =	simm.s32 $_tile_overlayer_lowered  }
0xa1: {  	s7 =	simm.s32 $0x1BFF;
	s21 =	sshll.u32 s6, $0x1;
	s4 =	sadd.s32 s20, s19  }
0xa2: {  	s22 =	simm.s32 $0x0;
	s5 =	sshll.u32 s5, $0x1;
	s6 =	sadd.s32 s21, s4  }
0xa3: {  	[timem:s22], [sflag:s7] =	dma.local [hbm:s6], s5  }
0xa4: {  	_ =	swait.ge [sflag:s7], s5  }
0xa5: {  	s5 =	ssub.s32 $0x0, s5;
	[sflag:s7] =	ssyncset.done $0x0  }
0xa6: {  	[sflag:s7] =	ssyncadd.s32 s5;
	_ =	sdelay $0x1  }
0xa7: {  	s23 =	simm.s32 $0x1B8B  }
0xa8: {  	_ =	swait.ge [sflag:s23], $0x1  }
0xa9: {  	[sflag:s23] =	ssyncset.done $0x0  }
0xaa: {  	[sflag:s23] =	ssyncadd.s32 $0xFFFFFFFF  }
0xab: {  	s5 =	sld [smem:$0x0]  }
0xac: {  	s6 =	sand.u32 $0xFFFFFFFE, s1  }
0xad: {  	p0 =	sne.s32 s1, s6  }
0xae: {  	s6 =	sshll.u32 @p0 s6, $0xE  }
0xaf: {  	s6 =	sadd.s32 @p0 $0x11B8D, s6;
	s7 =	sshll.u32 @p0 s5, $0x11  }
0xb0: {  	s6 =	sor.u32 @p0 s7, s6  }
0xb1: {  	[sflag:s6] =	ssyncadd.remote.s32 @p0 $0x1;
	_ =	sdelay $0x1  }
0xb2: {  	s6 =	simm.s32 @p0 $0x1B8D  }
0xb3: {  	_ =	swait.eq @p0 [sflag:s6], $0x1  }
0xb4: {  	[sflag:s6] =	ssyncadd.s32 @p0 $0xFFFFFFFF  }
0xb5: {  	s7 =	sshll.u32 @!p0 s1, $0xE  }
0xb6: {  	s7 =	sor.u32 @!p0 $0x4000, s7;
	s6 =	simm.s32 @!p0 $0x1B8D  }
0xb7: {  	s5 =	sshll.u32 @!p0 s5, $0x11;
	s7 =	sadd.s32 @!p0 $0x11B8D, s7;
	_ =	swait.eq @!p0 [sflag:s6], $0x1  }
0xb8: {  	s5 =	sor.u32 @!p0 s5, s7;
	[sflag:s6] =	ssyncadd.s32 @!p0 $0xFFFFFFFF  }
0xb9: {  	s25 =	simm.s32 $0x1B8E;
	s24 =	sld [smem:$0x3FFE];
	[sflag:s5] =	ssyncadd.remote.s32 @!p0 $0x1  }
0xba: {  	s26 =	simm.s32 $execute0_lowered;
	[smem:$0x3FD2] =	sst s25  }
0xbb: {  	s6 =	sshll.u32 s26, $0x1;
	_ =	strace $0x80000049;
	[dreg:$0x1] =	wrdreg $0xFFFFFFFF  }
0xbc: {  	s28 =	simm.s32 $_size_execute0_lowered;
	s4 =	sadd.s32 s4, s6;
	[dreg:$0x0] =	wrdreg $0x0  }
0xbd: {  	s6 =	sshll.u32 s28, $0x1;
	[dreg:$0x2] =	wrdreg s4  }
0xbe: {  	[dreg:$0x3] =	wrdreg s6  }
0xbf: {  	[dreg:$0x4] =	wrdreg $0xC0  }
0xc0: {  	_ =	task [dreg:s22], $0x5FFFF  }
0xc1: {  	[dreg:$0x1] =	wrdreg $0xFFFFFFFF  }
0xc2: {  	[dreg:$0x0] =	wrdreg $0x60  }
0xc3: {  	[dreg:$0x2] =	wrdreg s24  }
0xc4: {  	[dreg:$0x3] =	wrdreg s17  }
0xc5: {  	[dreg:$0x4] =	wrdreg $0xA  }
0xc6: {  	_ =	task.clear_ibuf [dreg:s22], $0x5FFFF;
	_ =	strace $0x90000049  }
0xc7: {  	s29 =	simm.s32 $0xA;
	_ =	strace $0x8000004B  }
0xc8: {  	_ =	swait.ge [sflag:s29], $0x1  }
0xc9: {  	[sflag:s29] =	ssyncadd.s32 $0xFFFFFFFF  }
0xca: {  	_ =	strace $0x9000004B  }
0xcb: {  	_ =	sfence  }
0xcc: {  	s30 =	sld [smem:$0x0];
	_ =	sdelay $0x2  }
0xcd: {  	s31 =	sshll.u32 s1, $0xD;
	s1 =	sshrl.u32 s1, $0x2  }
0xce: {  	s4 =	sand.u32 $0x4000, s31;
	s1 =	sadd.s32 s1, s30  }
0xcf: {  	s0 =	sor.u32 s4, s0;
	s1 =	sshll.u32 s1, $0x11  }
0xd0: {  	s0 =	sor.u32 s1, s0  }
0xd1: {  	s0 =	sadd.s32 $0x8F2B, s0  }
0xd2: {  	[sflag:s0] =	ssyncadd.remote.s32 $0x1  }
0xd3: {  	_ =	sfence.sel $0xFFFF  }
0xd4: {  	[dreg:$0x0] =	wrdreg $0xFFFFFFFF;
	(pc) =	sbr.abs _section_cstart, $3  }
0xd5: {  	[dreg:$0x1] =	wrdreg $0xFFFFFFFF  }
0xd6: {  	_ =	task.clear_ibuf [dreg:s22], $0x2FFFF;
	_ =	strace $0x9FFFFFFF  }
0xd7: {  	(tm) =	ssettm $0x7FFFFFFF  }
tec
execute0_lowered:
.L_overlay_start_1:
0x0: {  	(tag) =	ssettag $0x1  }
0x1: {  	s1 =	srdreg.scid;
	s4 =	rddreg [dreg:$0x0]  }
0x2: {  	s0 =	stileid.u32;
	s6 =	rddreg [dreg:$0x1]  }
0x3: {  	s2 =	simm.s32 $0x0;
	s10 =	simm.s32 $0x68;
	s11 =	simm.s32 $0x1A00  }
0x4: {  	s12 =	simm.s32 $0x2700;
	s13 =	simm.s32 $0x1;
	s14 =	simm.s32 $0x3430  }
0x5: {  	s15 =	simm.s32 $0x0;
	s5 =	sand.u32 $0x1, s1;
	s3 =	sshll.u32 s0, $0x6  }
0x6: {  	s1 =	rddreg [dreg:$0x2];
	s7 =	sshll.u32 s5, $0x5;
	s5 =	ssub.s32 $0x2, s5  }
0x7: {  	[smem:$0x7FF] =	sst s2;
	s7 =	sor.u32 s7, s3;
	s9 =	sshrl.u32 s5, $0x1  }
0x8: {  	s3 =	smul.u32 $0x1A, s7;
	s7 =	sshrl.u32 s7, $0x3;
	s9 =	ssub.s32 s5, s9  }
0x9: {  	_ =	strace $0x8000004A;
	s6 =	sadd.s32 s6, s7;
	s7 =	smax.u32 s9, $0x1  }
0xa: {  	s9 =	simm.s32 $0x3400;
	s8 =	sadd.s32 s3, s4;
	s3 =	sadd.s32 $0xC47600, s4  }
0xb: {  	s4 =	sadd.s32 $0xCA9200, s4;
	s5 =	sadd.s32 $0xC40E00, s8;
	s8 =	simm.s32 $0x2  }
.LBB2_1:
0xc: {  	[tilespmem:s2], [sflag:$0x2] =	stream.linear.gather [hbm4b:s5+s2], $0x1A00, $0x38;
	[tilespmem:$0x3450] =	vst v63  }
0xd: {  	_ =	swait.ge [sflag:s8], $0x1A00  }
0xe: {  	[sflag:s8] =	ssyncset.done $0x0  }
0xf: {  	[sflag:s8] =	ssyncadd.s32 $0xFFFFE600  }
0x10: {  	[tilespmem:s9], [sflag:$0x2] =	stream.linear.gather [hbm4b:s4+s2], $0x30, $0x38;
	[tilespmem:$0x3450] =	vst v63  }
0x11: {  	_ =	swait.ge [sflag:s8], $0x30  }
0x12: {  	[sflag:s8] =	ssyncset.done $0x0  }
0x13: {  	[sflag:s8] =	ssyncadd.s32 $0xFFFFFFD0  }
0x14: {  	v0 =	vld [tilespmem:$0x3400]  }
0x15: {  	s16 =	simm.s32 $0x0;
	v1 =	vld [tilespmem:$0x3410]  }
.LBB2_2:
0x16: {  	s17 =	smul.u32 $0x340, s16;
	_ =	sdelay $0x1  }
0x17: {  	s17 =	sshra.s32 s17, $0x2  }
0x18: {  	[tilespmem:s11], [sflag:$0x1] =	stream.indirect.gather [hbm4b:s3+s10], $0x20, s17, s10, $0xb8;
	[tilespmem:$0x3450] =	vst v63  }
0x19: {  	s17 =	sadd.s32 $0x68, s17  }
0x1a: {  	[tilespmem:s12], [sflag:$0x1] =	stream.indirect.gather [hbm4b:s3+s10], $0x20, s17, s10, $0xb8;
	[tilespmem:$0x3450] =	vst v63  }
0x1b: {  	_ =	swait.ge [sflag:s13], $0xD00  }
0x1c: {  	[sflag:s13] =	ssyncset.done $0x0  }
0x1d: {  	[sflag:s13] =	ssyncadd.s32 $0xFFFFF300  }
0x1e: {  	_ =	swait.ge [sflag:s13], $0xD00  }
0x1f: {  	[sflag:s13] =	ssyncset.done $0x0  }
0x20: {  	s18 =	simm.s32 $0x0;
	[sflag:s13] =	ssyncadd.s32 $0xFFFFF300  }
0x21: {  	v3 =	vld [tilespmem:s18+$0x1A10]  }
0x22: {  	v2 =	vimm.f32 $0.0e+00;
	v4 =	vimm.f32 $0.0e+00;
	s17 =	simm.s32 $0x80;
	v5 =	vld [tilespmem:s18+$0x1A00]  }
.LBB2_3:
0x23: {  	p0 =	sne.s32 s17, $0x6380  }
.Ltmp0:
0x24: {  	_ = 	snop;
	(pc) =	sbr.rel @p0 .LBB2_3-.Ltmp0, $4  }
0x25: {  	_ = 	snop  }
0x26: {  	s18 =	sshra.s32 s17, $0x2;
	s17 =	sadd.s32 $0x80, s17;
	v2 =	vadd.f32 v3, v2  }
0x27: {  	v3 =	vld [tilespmem:s18+$0x1A10];
	v4 =	vadd.f32 v5, v4  }
0x28: {  	v5 =	vld [tilespmem:s18+$0x1A00]  }
0x29: {  	_ =	sdelay $0x3  }
0x2a: {  	v2 =	vadd.f32 v3, v2;
	v3 =	vadd.f32 v5, v4;
	_ =	sdelay $0x1  }
0x2b: {  	v2 =	vmul.f32 v2, v1;
	v3 =	vmul.f32 v3, v0;
	_ =	sdelay $0x1  }
0x2c: {  	v2 =	vadd.f32 v2, v3;
	_ =	sdelay $0x1  }
0x2d: {  	(xrf2) =	vadd.scan.msk.f32 $0xffff, v2;
	_ =	sdelay $0x9  }
0x2e: {  	v2, _, _ =	vpop (xrf2)  }
0x2f: {  	(v2sf) =	vpush v2, $0xF;
	_ =	sdelay $0xc  }
0x30: {  	v2 =	vmov s16;
	s16 =	sadd.s32 $0x1, s16  }
0x31: {  	p0 =	sne.s32 s16, $0x20  }
.Ltmp1:
0x32: {  	s17 =	spop (v2sf);
	(pc) =	sbr.rel @p0 .LBB2_2-.Ltmp1, $3  }
0x33: {  	s17 =	smul.f32 $4.999999890e-03, s17;
	_ =	sdelay $0x1  }
0x34: {  	v3 =	vmov s17  }
0x35: {  	[tilespmem:v2+s14+$0x0] =	vst.idx.msk $0x1, v3  }
0x36: {  	v0 =	vld [tilespmem:$0x3420]  }
0x37: {  	v1 =	vld [tilespmem:$0x3430];
	_ =	sdelay $0x4  }
0x38: {  	v1 =	vadd.f32 v1, v0;
	_ =	sdelay $0x1  }
0x39: {  	v1 =	vsub.f32 $0.0e+00, v1;
	_ =	sdelay $0x1  }
0x3a: {  	v1 =	vmul.f32 $1.442695020e+00, v1;
	_ =	sdelay $0x1  }
0x3b: {  	(erf) = vpow2.f32 v1;
	_ =	sdelay $0x1  }
0x3c: {  	v59 =	vld [tilespmem:$0x3440];
	_ =	sdelay $0x4  }
0x3d: {  	v0 =	vadd.f32 v59, v0;
	_ =	sdelay $0x1  }
0x3e: {  	v0 =	vsub.f32 $0.0e+00, v0;
	v60 =	vpop (erf)  }
0x3f: {  	v1 =	vadd.f32 $1.000000000e+00, v60  }
0x40: {  	v0 =	vmul.f32 $1.442695020e+00, v0  }
0x41: {  	(erf) = vrcp.f32 v1  }
0x42: {  	(erf) = vpow2.f32 v0;
	_ =	sdelay $0x7  }
0x43: {  	v61 =	vpop (erf)  }
0x44: {  	v62 =	vpop (erf)  }
0x45: {  	v1 =	vadd.f32 $1.000000000e+00, v62;
	_ =	sdelay $0x1  }
0x46: {  	(erf) = vrcp.f32 v1;
	_ =	sdelay $0x7  }
0x47: {  	s15 =	sadd.s32 $0x1, s15  }
0x48: {  	p0 =	sne.s32 s15, s7;
	[tilespmem:$0x3430] =	vst v61;
	v63 =	vpop (erf)  }
.Ltmp2:
0x49: {  	[tilespmem:$0x3440] =	vst v63;
	(pc) =	sbr.rel @p0 .LBB2_1-.Ltmp2, $4  }
0x4a: {  	[hbm4b:s6+s2] =	stream.linear.scatter [tilespmem:s14], [sflag:$0x2], $0x20, $0x38;
	[tilespmem:$0x3450] =	vst v63  }
0x4b: {  	_ =	swait.ge [sflag:s8], $0x20  }
0x4c: {  	[sflag:s8] =	ssyncset.done $0x0  }
0x4d: {  	[sflag:s8] =	ssyncadd.s32 $0xFFFFFFE0  }
0x4e: {  	_ =	sfence.sel $0x180000  }
0x4f: {  	[bflag:$0x0] =	sbarrier.arrive $0xFFFF  }
0x50: {  	p0 =	sne.s32 s0, $0x0;
	_ =	strace $0x9000004A  }
0x51: {  	s0 =	sadd.s32 @!p0 $0x100000, s1;
	[bflag:$0x2] =	sbarrier.arrive $0xFFFF  }
0x52: {  	[sflag:s0] =	ssyncadd.tile.s32 @!p0 $0x1;
	_ =	shalt  }
.Lfunc_end2:
_tile_overlayer_lowered:
.L_overlay_start_2:
0x53: {  	(tag) =	ssettag $0x2  }
0x54: {  	s0 =	rddreg [dreg:$0x0];
	s2 =	stileid.u32  }
0x55: {  	s1 =	rddreg [dreg:$0x1];
	p0 =	sne.s32 s2, $0x0  }
0x56: {  	s3 =	rddreg [dreg:$0x2];
	[bflag:$0x3] =	sbarrier.arrive $0xFFFF;
	s2 =	simm.s32 @!p0 $0x1C02  }
0x57: {  	[timem:s3], [sflag:s2] =	dma.local @!p0 [hbm:s0], s1  }
0x58: {  	s0 =	simm.s32 @!p0 $0x2  }
0x59: {  	_ =	swait.ge @!p0 [sflag:s0], s1  }
0x5a: {  	s1 =	ssub.s32 @!p0 $0x0, s1;
	[sflag:s0] =	ssyncset.done @!p0 $0x0  }
0x5b: {  	[sflag:s0] =	ssyncadd.s32 @!p0 s1  }
0x5c: {  	[bflag:$0x3] =	sbarrier.arrive $0xFFFF  }
0x5d: {  	_ =	shalt  }

</sc_bundles>
